<compile_context>
chip_gen: v7x
topology: tpu7x:2x2x1
jax: 0.10.2.dev20260603
libtpu: 0.0.44.dev20260713+nightly
codegen_flags: <defaults>
</compile_context>

<pallas_src>
import functools

import jax
import jax.numpy as jnp
from jax import lax
from jax.experimental import pallas as pl
from jax.experimental.pallas import tpu as pltpu
from jax.experimental.pallas import tpu_sc as plsc

W = 128
NSEL = 50
NPAD = 56
NEG = float("-inf")
BIG = 2 ** 30


def _k1_body(x_ref, bm_ref, m_ref, s_ref):
    x = x_ref[...]
    bmx = jnp.max(x, axis=2)
    m = jnp.max(bmx, axis=1, keepdims=True)
    e = jnp.exp(x - m[:, :, None])
    s = jnp.sum(jnp.sum(e, axis=2), axis=1, keepdims=True)
    bm_ref[...] = bmx
    m_ref[...] = m
    s_ref[...] = s


def _k2_body(nb, bm_ref, flat_ref, work_ref, acc_ref):
    b, _ = bm_ref.shape
    riota = lax.broadcasted_iota(jnp.int32, (b, 1), 0)
    biota = lax.broadcasted_iota(jnp.int32, (b, nb), 1)
    liota = lax.broadcasted_iota(jnp.int32, (b, NPAD), 1)
    work_ref[...] = bm_ref[...]
    acc_ref[...] = jnp.broadcast_to(riota * nb, (b, NPAD))

    def step(t, carry):
        w = work_ref[...]
        mx = jnp.max(w, axis=1, keepdims=True)
        bid = jnp.min(jnp.where(w == mx, biota, BIG), axis=1, keepdims=True)
        acc_ref[...] = jnp.where(liota == t, riota * nb + bid, acc_ref[...])
        work_ref[...] = jnp.where(biota == bid, NEG, w)
        return carry

    lax.fori_loop(0, NSEL, step, 0)
    flat_ref[...] = acc_ref[...]


def _k3_body(tbl_hbm, flat_hbm, out_hbm, idx_v, rows_v, sem):
    wid = lax.axis_index("s") * 2 + lax.axis_index("c")
    base = wid * 4
    pltpu.sync_copy(flat_hbm.at[pl.ds(base, 4)], idx_v)
    copies = []
    for j in range(4):
        copies.append(pltpu.async_copy(tbl_hbm.at[idx_v.at[j]], rows_v.at[j], sem))
    for c in copies:
        c.wait()
    pltpu.sync_copy(rows_v, out_hbm.at[pl.ds(base, 4)])


def _tf_gumbel(flat):
    rots = ((13, 15, 26, 6), (17, 29, 16, 24))
    k0 = jnp.int32(0)
    k1 = jnp.int32(42)
    ks = (k0, k1, k0 ^ k1 ^ jnp.int32(0x1BD11BDA))
    x0 = jnp.zeros_like(flat) + ks[0]
    x1 = flat + ks[1]
    for d in range(5):
        for r in rots[d % 2]:
            x0 = x0 + x1
            x1 = (x1 << r) | lax.shift_right_logical(x1, 32 - r)
            x1 = x0 ^ x1
        x0 = x0 + ks[(d + 1) % 3]
        x1 = x1 + ks[(d + 2) % 3] + jnp.int32(d + 1)
    bits = x0 ^ x1
    fl = lax.bitcast_convert_type(
        lax.shift_right_logical(bits, 9) | jnp.int32(0x3F800000), jnp.float32)
    fl = fl - jnp.float32(1.0)
    tiny = jnp.float32(jnp.finfo(jnp.float32).tiny)
    u = jnp.maximum(tiny, fl * (jnp.float32(1.0) - tiny) + tiny)
    return -jnp.log(-jnp.log(u))


def _k4_body(nb, v, cands_ref, flat_ref, m_ref, s_ref, temp_ref,
             topp_ref, topk_ref, samp_ref, tkv_ref, tki_ref, slp_ref,
             work_ref, idx_ref, vals_ref, idxs_ref):
    b = cands_ref.shape[0]
    riota = lax.broadcasted_iota(jnp.int32, (b, 1), 0)
    siota = lax.broadcasted_iota(jnp.int32, (b, NPAD, W), 1)
    oiota = lax.broadcasted_iota(jnp.int32, (b, NPAD, W), 2)
    liota = lax.broadcasted_iota(jnp.int32, (b, 64), 1)

    bcol = flat_ref[...] - riota * nb
    idx_ref[...] = bcol[:, :, None] * W + oiota
    work_ref[...] = jnp.where(siota < NSEL, cands_ref[...], NEG)
    vals_ref[...] = jnp.full((b, 64), NEG, jnp.float32)
    idxs_ref[...] = jnp.full((b, 64), BIG, jnp.int32)

    def step(t, carry):
        w = work_ref[...]
        mx = jnp.max(jnp.max(w, axis=2), axis=1, keepdims=True)
        ismax = w == mx[:, :, None]
        idx = idx_ref[...]
        chid = jnp.min(jnp.min(jnp.where(ismax, idx, BIG), axis=2),
                       axis=1, keepdims=True)
        chosen = ismax & (idx == chid[:, :, None])
        sel = liota == t
        vals_ref[...] = jnp.where(sel, mx, vals_ref[...])
        idxs_ref[...] = jnp.where(sel, chid, idxs_ref[...])
        work_ref[...] = jnp.where(chosen, NEG, w)
        return carry

    lax.fori_loop(0, NSEL, step, 0)

    vals = vals_ref[...]
    idxs = idxs_ref[...]
    gums = _tf_gumbel(riota * v + idxs)
    temp = temp_ref[...]
    x = vals / temp
    kth = jnp.max(jnp.where(liota == topk_ref[...] - 1, x, NEG),
                  axis=1, keepdims=True)
    keep1 = ~(x < kth)
    xm = jnp.where(keep1, x, NEG)
    p = jnp.exp(xm - x[:, 0:1])
    pn = p / jnp.sum(p, axis=1, keepdims=True)
    c = pn
    for sh in (1, 2, 4, 8, 16, 32):
        z = jnp.zeros((b, sh), jnp.float32)
        c = c + jnp.concatenate([c[:, sh:], z], axis=1)
    keep2 = (c > 1.0 - topp_ref[...]) | (liota == 0)
    keep = keep1 & keep2
    y = jnp.where(keep, xm, NEG)
    z = y + gums
    zmx = jnp.max(z, axis=1, keepdims=True)
    rand = jnp.min(jnp.where(z == zmx, idxs, BIG), axis=1, keepdims=True)
    greedy = idxs[:, 0:1]
    sampled = jnp.where(temp < 1e-5, greedy, rand)
    vs = jnp.max(jnp.where(idxs == sampled, vals, NEG), axis=1, keepdims=True)
    lse = m_ref[...] + jnp.log(s_ref[...])
    samp_ref[...] = sampled
    slp_ref[...] = vs - lse
    tkv_ref[...] = vals[:, :20] - lse
    tki_ref[...] = idxs[:, :20]


def kernel(logits, temperature, top_p, top_k):
    b, v = logits.shape
    nb = -(-v // W)
    vp = nb * W
    logits = logits.astype(jnp.float32)
    if vp != v:
        logits = jnp.pad(logits, ((0, 0), (0, vp - v)), constant_values=NEG)

    logits3 = logits.reshape(b, nb, W)
    bm, m, s = pl.pallas_call(
        _k1_body,
        grid=(b // 8,),
        in_specs=[pl.BlockSpec((8, nb, W), lambda r: (r, 0, 0))],
        out_specs=[
            pl.BlockSpec((8, nb), lambda r: (r, 0)),
            pl.BlockSpec((8, 1), lambda r: (r, 0)),
            pl.BlockSpec((8, 1), lambda r: (r, 0)),
        ],
        out_shape=[
            jax.ShapeDtypeStruct((b, nb), jnp.float32),
            jax.ShapeDtypeStruct((b, 1), jnp.float32),
            jax.ShapeDtypeStruct((b, 1), jnp.float32),
        ],
    )(logits3)

    flat = pl.pallas_call(
        functools.partial(_k2_body, nb),
        out_shape=jax.ShapeDtypeStruct((b, NPAD), jnp.int32),
        scratch_shapes=[
            pltpu.VMEM((b, nb), jnp.float32),
            pltpu.VMEM((b, NPAD), jnp.int32),
        ],
    )(bm)

    tbl = logits.reshape(b * nb, W)
    gather = pl.kernel(
        _k3_body,
        out_type=[jax.ShapeDtypeStruct((b, NPAD, W), jnp.float32)],
        mesh=plsc.VectorSubcoreMesh(core_axis_name="c", subcore_axis_name="s"),
        scratch_types=[
            pltpu.VMEM((4, NPAD), jnp.int32),
            pltpu.VMEM((4, NPAD, W), jnp.float32),
            pltpu.SemaphoreType.DMA,
        ],
    )
    (cands,) = gather(tbl, flat)

    samp, tkv, tki, slp = pl.pallas_call(
        functools.partial(_k4_body, nb, v),
        out_shape=[
            jax.ShapeDtypeStruct((b, 1), jnp.int32),
            jax.ShapeDtypeStruct((b, 20), jnp.float32),
            jax.ShapeDtypeStruct((b, 20), jnp.int32),
            jax.ShapeDtypeStruct((b, 1), jnp.float32),
        ],
        scratch_shapes=[
            pltpu.VMEM((b, NPAD, W), jnp.float32),
            pltpu.VMEM((b, NPAD, W), jnp.int32),
            pltpu.VMEM((b, 64), jnp.float32),
            pltpu.VMEM((b, 64), jnp.int32),
        ],
    )(
        cands, flat, m, s,
        temperature.astype(jnp.float32).reshape(b, 1),
        top_p.astype(jnp.float32).reshape(b, 1),
        top_k.astype(jnp.int32).reshape(b, 1),
    )

    return samp, tkv, tki.astype(jnp.int64), slp

# --- scband reference (transcript-rebuilt; emitter-appended) ---
"""Pipeline reference for scband-sampler-65652870087160 (READ-ONLY COPY).

The authoritative reference and input builder live on the scoring server;
editing this copy changes nothing except your own understanding.
"""

import jax, jax.numpy as jnp
import numpy as np

NUM_LOGPROBS = 20
_SAMPLING_EPS = 1e-5


def setup_inputs(seed: int = 0) -> dict:
    key = jax.random.key(seed)
    k1, k2, k3, k4 = jax.random.split(key, 4)
    B, V = 128, 100000
    logits = jax.random.normal(k1, (B, V), dtype=jnp.float32) * 4.0
    temperature = 0.5 + jax.random.uniform(k2, (B,), dtype=jnp.float32)
    top_p = 0.5 + 0.5 * jax.random.uniform(k3, (B,), dtype=jnp.float32)
    top_k = jax.random.randint(k4, (B,), 1, 50).astype(jnp.int32)
    return {"logits": logits, "temperature": temperature, "top_p": top_p, "top_k": top_k}


def _apply_top_k(x, top_k):
    sorted_desc = jnp.sort(x, axis=-1)[:, ::-1]
    kth = jnp.take_along_axis(sorted_desc, (top_k - 1)[:, None].astype(jnp.int32), axis=-1)
    return jnp.where(x < kth, -jnp.inf, x)


def _apply_top_p(x, top_p):
    probs = jax.nn.softmax(x, axis=-1)
    sort_idx = jnp.argsort(probs, axis=-1)  # ascending
    sorted_probs = jnp.take_along_axis(probs, sort_idx, axis=-1)
    cum = jnp.cumsum(sorted_probs, axis=-1)
    keep_sorted = cum > (1.0 - top_p[:, None])
    keep_sorted = keep_sorted.at[:, -1].set(True)  # always keep the highest-prob token
    inv = jnp.argsort(sort_idx, axis=-1)
    keep = jnp.take_along_axis(keep_sorted, inv, axis=-1)
    return jnp.where(keep, x, -jnp.inf)


def reference(logits, temperature, top_p, top_k):
    # Step 1 (RAW_LOGPROBS mode): compute raw logprobs before processing.
    logits = logits.astype(jnp.float32)
    raw_logprobs = jax.nn.log_softmax(logits, axis=-1)
    # Greedy sample (pre-temperature; temperature is argmax-invariant anyway).
    greedy = jnp.argmax(logits, axis=-1)
    # Apply temperature.
    x = logits / temperature[:, None]
    # Apply top-k then top-p.
    x = _apply_top_k(x, top_k)
    x = _apply_top_p(x, top_p)
    # Sample via Gumbel-max trick (deterministic key stands in for per-request generators).
    g = jax.random.gumbel(jax.random.key(42), x.shape, dtype=jnp.float32)
    random_sampled = jnp.argmax(x + g, axis=-1)
    # Greedy where temperature < eps, else random.
    sampled = jnp.where(temperature < _SAMPLING_EPS, greedy, random_sampled)
    # Gather top `max_num_logprobs` logprobs and sampled-token logprob.
    topk_vals, topk_idx = jax.lax.top_k(raw_logprobs, NUM_LOGPROBS)
    sampled_lp = jnp.take_along_axis(raw_logprobs, sampled[:, None], axis=-1)
    sampled_token_ids = sampled.astype(jnp.int32)[:, None]
    return (sampled_token_ids, topk_vals, topk_idx.astype(jnp.int64), sampled_lp)

if __name__ == "__main__":
    import jax
    _d = setup_inputs()
    print(jax.jit(kernel)(*tuple(_d.values())))

</pallas_src>

<mosaic_0001>
#map = affine_map<(d0, d1) -> (0, 0)>
#map1 = affine_map<(d0, d1) -> (0, 0, 0)>
module attributes {stable_mosaic.version = 14 : i64} {
  func.func @_k3_body(%arg0: i32, %arg1: i32, %arg2: memref<100096x128xf32, #tpu.memory_space<hbm>>, %arg3: memref<128x56xi32, #tpu.memory_space<hbm>>, %arg4: memref<128x56x128xf32, #tpu.memory_space<hbm>>, %arg5: memref<4x56xi32, #tpu.memory_space<vmem>>, %arg6: memref<4x56x128xf32, #tpu.memory_space<vmem>>, %arg7: memref<!tpu.dma_semaphore, #tpu.memory_space<semaphore_mem>>) attributes {dimension_semantics = [#tpu.dimension_semantics<core_parallel>, #tpu.dimension_semantics<subcore_parallel>], iteration_bounds = array<i64: 2, 16>, scalar_prefetch = 0 : i64, scratch_operands = 3 : i64, tpu.core_type = #tpu.core_type<sc_vector_subcore>, window_params = [{transform_indices = #map}, {transform_indices = #map}, {transform_indices = #map1}]} {
    %mul3A = arith.constant 2 : i32
    %mul3A_0 = arith.muli %arg1, %mul3A : i32
    %add3A = arith.addi %mul3A_0, %arg0 : i32
    %mul3A_1 = arith.constant 4 : i32
    %mul3A_2 = arith.muli %add3A, %mul3A_1 : i32
    "tpu.region"() ({
      %run_scoped3A = tpu.sem_alloc : memref<!tpu.dma_semaphore, #tpu.memory_space<semaphore_mem>>
      %dma_start3A_97 = arith.constant 0 : i32
      %dma_start3A_98 = tpu.memref_slice %arg3[%mul3A_2, %dma_start3A_97] : memref<128x56xi32, #tpu.memory_space<hbm>> -> memref<4x56xi32, #tpu.memory_space<hbm>>
      %dma_start3A_99 = arith.constant 0 : i32
      %dma_start3A_100 = tpu.memref_slice %arg3[%mul3A_2, %dma_start3A_99] : memref<128x56xi32, #tpu.memory_space<hbm>> -> memref<4x56xi32, #tpu.memory_space<hbm>>
      tpu.enqueue_dma source(%dma_start3A_100 : memref<4x56xi32, #tpu.memory_space<hbm>>) target(%arg5 : memref<4x56xi32, #tpu.memory_space<vmem>>) target_semaphore(%run_scoped3A : memref<!tpu.dma_semaphore, #tpu.memory_space<semaphore_mem>>)
      %dma_wait3A_101 = arith.constant 0 : i32
      %dma_wait3A_102 = tpu.memref_slice %arg3[%mul3A_2, %dma_wait3A_101] : memref<128x56xi32, #tpu.memory_space<hbm>> -> memref<4x56xi32, #tpu.memory_space<hbm>>
      %dma_wait3A_103 = arith.constant 0 : i32
      %dma_wait3A_104 = tpu.memref_slice %arg3[%mul3A_2, %dma_wait3A_103] : memref<128x56xi32, #tpu.memory_space<hbm>> -> memref<4x56xi32, #tpu.memory_space<hbm>>
      tpu.wait_dma2 semaphore(%run_scoped3A : memref<!tpu.dma_semaphore, #tpu.memory_space<semaphore_mem>>) src(%dma_wait3A_104 : memref<4x56xi32, #tpu.memory_space<hbm>>) dst(%arg5 : memref<4x56xi32, #tpu.memory_space<vmem>>)
      tpu.yield
    }) : () -> ()
    %dma_start3A = arith.constant 0 : i32
    %dma_start3A_3 = arith.constant 0 : i32
    %dma_start3A_4 = arith.constant 0 : i32
    %dma_start3A_5 = arith.constant 0 : i32
    %dma_start3A_6 = tpu.memref_slice %arg6[%dma_start3A_3, %dma_start3A_4, %dma_start3A_5] : memref<4x56x128xf32, #tpu.memory_space<vmem>> -> memref<1x56x128xf32, #tpu.memory_space<vmem>>
    %dma_start3A_7 = tpu.memref_squeeze %dma_start3A_6 : memref<1x56x128xf32, #tpu.memory_space<vmem>> -> memref<56x128xf32, #tpu.memory_space<vmem>>
    %dma_start3A_8 = arith.constant 0 : i32
    %dma_start3A_9 = tpu.memref_slice %arg5[%dma_start3A, %dma_start3A_8] : memref<4x56xi32, #tpu.memory_space<vmem>> -> memref<1x56xi32, #tpu.memory_space<vmem>>
    %dma_start3A_10 = tpu.memref_squeeze %dma_start3A_9 : memref<1x56xi32, #tpu.memory_space<vmem>> -> memref<56xi32, #tpu.memory_space<vmem>>
    %dma_start3A_11 = arith.constant 0 : i32
    %dma_start3A_12 = arith.constant 0 : i32
    %dma_start3A_13 = tpu.memref_slice %arg2[%dma_start3A_11, %dma_start3A_12] : memref<100096x128xf32, #tpu.memory_space<hbm>> -> memref<100096x128xf32, #tpu.memory_space<hbm>>
    tpu.enqueue_indirect_dma source(%dma_start3A_13 : memref<100096x128xf32, #tpu.memory_space<hbm>>) target(%dma_start3A_7 : memref<56x128xf32, #tpu.memory_space<vmem>>) offsets(%dma_start3A_10 : memref<56xi32, #tpu.memory_space<vmem>>) semaphore(%arg7 : memref<!tpu.dma_semaphore, #tpu.memory_space<semaphore_mem>>)
    %dma_start3A_14 = arith.constant 1 : i32
    %dma_start3A_15 = arith.constant 1 : i32
    %dma_start3A_16 = arith.constant 0 : i32
    %dma_start3A_17 = arith.constant 0 : i32
    %dma_start3A_18 = tpu.memref_slice %arg6[%dma_start3A_15, %dma_start3A_16, %dma_start3A_17] : memref<4x56x128xf32, #tpu.memory_space<vmem>> -> memref<1x56x128xf32, #tpu.memory_space<vmem>>
    %dma_start3A_19 = tpu.memref_squeeze %dma_start3A_18 : memref<1x56x128xf32, #tpu.memory_space<vmem>> -> memref<56x128xf32, #tpu.memory_space<vmem>>
    %dma_start3A_20 = arith.constant 0 : i32
    %dma_start3A_21 = tpu.memref_slice %arg5[%dma_start3A_14, %dma_start3A_20] : memref<4x56xi32, #tpu.memory_space<vmem>> -> memref<1x56xi32, #tpu.memory_space<vmem>>
    %dma_start3A_22 = tpu.memref_squeeze %dma_start3A_21 : memref<1x56xi32, #tpu.memory_space<vmem>> -> memref<56xi32, #tpu.memory_space<vmem>>
    %dma_start3A_23 = arith.constant 0 : i32
    %dma_start3A_24 = arith.constant 0 : i32
    %dma_start3A_25 = tpu.memref_slice %arg2[%dma_start3A_23, %dma_start3A_24] : memref<100096x128xf32, #tpu.memory_space<hbm>> -> memref<100096x128xf32, #tpu.memory_space<hbm>>
    tpu.enqueue_indirect_dma source(%dma_start3A_25 : memref<100096x128xf32, #tpu.memory_space<hbm>>) target(%dma_start3A_19 : memref<56x128xf32, #tpu.memory_space<vmem>>) offsets(%dma_start3A_22 : memref<56xi32, #tpu.memory_space<vmem>>) semaphore(%arg7 : memref<!tpu.dma_semaphore, #tpu.memory_space<semaphore_mem>>)
    %dma_start3A_26 = arith.constant 2 : i32
    %dma_start3A_27 = arith.constant 2 : i32
    %dma_start3A_28 = arith.constant 0 : i32
    %dma_start3A_29 = arith.constant 0 : i32
    %dma_start3A_30 = tpu.memref_slice %arg6[%dma_start3A_27, %dma_start3A_28, %dma_start3A_29] : memref<4x56x128xf32, #tpu.memory_space<vmem>> -> memref<1x56x128xf32, #tpu.memory_space<vmem>>
    %dma_start3A_31 = tpu.memref_squeeze %dma_start3A_30 : memref<1x56x128xf32, #tpu.memory_space<vmem>> -> memref<56x128xf32, #tpu.memory_space<vmem>>
    %dma_start3A_32 = arith.constant 0 : i32
    %dma_start3A_33 = tpu.memref_slice %arg5[%dma_start3A_26, %dma_start3A_32] : memref<4x56xi32, #tpu.memory_space<vmem>> -> memref<1x56xi32, #tpu.memory_space<vmem>>
    %dma_start3A_34 = tpu.memref_squeeze %dma_start3A_33 : memref<1x56xi32, #tpu.memory_space<vmem>> -> memref<56xi32, #tpu.memory_space<vmem>>
    %dma_start3A_35 = arith.constant 0 : i32
    %dma_start3A_36 = arith.constant 0 : i32
    %dma_start3A_37 = tpu.memref_slice %arg2[%dma_start3A_35, %dma_start3A_36] : memref<100096x128xf32, #tpu.memory_space<hbm>> -> memref<100096x128xf32, #tpu.memory_space<hbm>>
    tpu.enqueue_indirect_dma source(%dma_start3A_37 : memref<100096x128xf32, #tpu.memory_space<hbm>>) target(%dma_start3A_31 : memref<56x128xf32, #tpu.memory_space<vmem>>) offsets(%dma_start3A_34 : memref<56xi32, #tpu.memory_space<vmem>>) semaphore(%arg7 : memref<!tpu.dma_semaphore, #tpu.memory_space<semaphore_mem>>)
    %dma_start3A_38 = arith.constant 3 : i32
    %dma_start3A_39 = arith.constant 3 : i32
    %dma_start3A_40 = arith.constant 0 : i32
    %dma_start3A_41 = arith.constant 0 : i32
    %dma_start3A_42 = tpu.memref_slice %arg6[%dma_start3A_39, %dma_start3A_40, %dma_start3A_41] : memref<4x56x128xf32, #tpu.memory_space<vmem>> -> memref<1x56x128xf32, #tpu.memory_space<vmem>>
    %dma_start3A_43 = tpu.memref_squeeze %dma_start3A_42 : memref<1x56x128xf32, #tpu.memory_space<vmem>> -> memref<56x128xf32, #tpu.memory_space<vmem>>
    %dma_start3A_44 = arith.constant 0 : i32
    %dma_start3A_45 = tpu.memref_slice %arg5[%dma_start3A_38, %dma_start3A_44] : memref<4x56xi32, #tpu.memory_space<vmem>> -> memref<1x56xi32, #tpu.memory_space<vmem>>
    %dma_start3A_46 = tpu.memref_squeeze %dma_start3A_45 : memref<1x56xi32, #tpu.memory_space<vmem>> -> memref<56xi32, #tpu.memory_space<vmem>>
    %dma_start3A_47 = arith.constant 0 : i32
    %dma_start3A_48 = arith.constant 0 : i32
    %dma_start3A_49 = tpu.memref_slice %arg2[%dma_start3A_47, %dma_start3A_48] : memref<100096x128xf32, #tpu.memory_space<hbm>> -> memref<100096x128xf32, #tpu.memory_space<hbm>>
    tpu.enqueue_indirect_dma source(%dma_start3A_49 : memref<100096x128xf32, #tpu.memory_space<hbm>>) target(%dma_start3A_43 : memref<56x128xf32, #tpu.memory_space<vmem>>) offsets(%dma_start3A_46 : memref<56xi32, #tpu.memory_space<vmem>>) semaphore(%arg7 : memref<!tpu.dma_semaphore, #tpu.memory_space<semaphore_mem>>)
    %dma_wait3A = arith.constant 0 : i32
    %dma_wait3A_50 = arith.constant 0 : i32
    %dma_wait3A_51 = arith.constant 0 : i32
    %dma_wait3A_52 = arith.constant 0 : i32
    %dma_wait3A_53 = tpu.memref_slice %arg6[%dma_wait3A_50, %dma_wait3A_51, %dma_wait3A_52] : memref<4x56x128xf32, #tpu.memory_space<vmem>> -> memref<1x56x128xf32, #tpu.memory_space<vmem>>
    %dma_wait3A_54 = tpu.memref_squeeze %dma_wait3A_53 : memref<1x56x128xf32, #tpu.memory_space<vmem>> -> memref<56x128xf32, #tpu.memory_space<vmem>>
    %dma_wait3A_55 = arith.constant 0 : i32
    %dma_wait3A_56 = tpu.memref_slice %arg5[%dma_wait3A, %dma_wait3A_55] : memref<4x56xi32, #tpu.memory_space<vmem>> -> memref<1x56xi32, #tpu.memory_space<vmem>>
    %dma_wait3A_57 = tpu.memref_squeeze %dma_wait3A_56 : memref<1x56xi32, #tpu.memory_space<vmem>> -> memref<56xi32, #tpu.memory_space<vmem>>
    %dma_wait3A_58 = arith.constant 0 : i32
    %dma_wait3A_59 = arith.constant 0 : i32
    %dma_wait3A_60 = tpu.memref_slice %arg2[%dma_wait3A_58, %dma_wait3A_59] : memref<100096x128xf32, #tpu.memory_space<hbm>> -> memref<100096x128xf32, #tpu.memory_space<hbm>>
    tpu.wait_indirect_dma semaphore(%arg7 : memref<!tpu.dma_semaphore, #tpu.memory_space<semaphore_mem>>) src(%dma_wait3A_60 : memref<100096x128xf32, #tpu.memory_space<hbm>>) dst(%dma_wait3A_54 : memref<56x128xf32, #tpu.memory_space<vmem>>)
    %dma_wait3A_61 = arith.constant 1 : i32
    %dma_wait3A_62 = arith.constant 1 : i32
    %dma_wait3A_63 = arith.constant 0 : i32
    %dma_wait3A_64 = arith.constant 0 : i32
    %dma_wait3A_65 = tpu.memref_slice %arg6[%dma_wait3A_62, %dma_wait3A_63, %dma_wait3A_64] : memref<4x56x128xf32, #tpu.memory_space<vmem>> -> memref<1x56x128xf32, #tpu.memory_space<vmem>>
    %dma_wait3A_66 = tpu.memref_squeeze %dma_wait3A_65 : memref<1x56x128xf32, #tpu.memory_space<vmem>> -> memref<56x128xf32, #tpu.memory_space<vmem>>
    %dma_wait3A_67 = arith.constant 0 : i32
    %dma_wait3A_68 = tpu.memref_slice %arg5[%dma_wait3A_61, %dma_wait3A_67] : memref<4x56xi32, #tpu.memory_space<vmem>> -> memref<1x56xi32, #tpu.memory_space<vmem>>
    %dma_wait3A_69 = tpu.memref_squeeze %dma_wait3A_68 : memref<1x56xi32, #tpu.memory_space<vmem>> -> memref<56xi32, #tpu.memory_space<vmem>>
    %dma_wait3A_70 = arith.constant 0 : i32
    %dma_wait3A_71 = arith.constant 0 : i32
    %dma_wait3A_72 = tpu.memref_slice %arg2[%dma_wait3A_70, %dma_wait3A_71] : memref<100096x128xf32, #tpu.memory_space<hbm>> -> memref<100096x128xf32, #tpu.memory_space<hbm>>
    tpu.wait_indirect_dma semaphore(%arg7 : memref<!tpu.dma_semaphore, #tpu.memory_space<semaphore_mem>>) src(%dma_wait3A_72 : memref<100096x128xf32, #tpu.memory_space<hbm>>) dst(%dma_wait3A_66 : memref<56x128xf32, #tpu.memory_space<vmem>>)
    %dma_wait3A_73 = arith.constant 2 : i32
    %dma_wait3A_74 = arith.constant 2 : i32
    %dma_wait3A_75 = arith.constant 0 : i32
    %dma_wait3A_76 = arith.constant 0 : i32
    %dma_wait3A_77 = tpu.memref_slice %arg6[%dma_wait3A_74, %dma_wait3A_75, %dma_wait3A_76] : memref<4x56x128xf32, #tpu.memory_space<vmem>> -> memref<1x56x128xf32, #tpu.memory_space<vmem>>
    %dma_wait3A_78 = tpu.memref_squeeze %dma_wait3A_77 : memref<1x56x128xf32, #tpu.memory_space<vmem>> -> memref<56x128xf32, #tpu.memory_space<vmem>>
    %dma_wait3A_79 = arith.constant 0 : i32
    %dma_wait3A_80 = tpu.memref_slice %arg5[%dma_wait3A_73, %dma_wait3A_79] : memref<4x56xi32, #tpu.memory_space<vmem>> -> memref<1x56xi32, #tpu.memory_space<vmem>>
    %dma_wait3A_81 = tpu.memref_squeeze %dma_wait3A_80 : memref<1x56xi32, #tpu.memory_space<vmem>> -> memref<56xi32, #tpu.memory_space<vmem>>
    %dma_wait3A_82 = arith.constant 0 : i32
    %dma_wait3A_83 = arith.constant 0 : i32
    %dma_wait3A_84 = tpu.memref_slice %arg2[%dma_wait3A_82, %dma_wait3A_83] : memref<100096x128xf32, #tpu.memory_space<hbm>> -> memref<100096x128xf32, #tpu.memory_space<hbm>>
    tpu.wait_indirect_dma semaphore(%arg7 : memref<!tpu.dma_semaphore, #tpu.memory_space<semaphore_mem>>) src(%dma_wait3A_84 : memref<100096x128xf32, #tpu.memory_space<hbm>>) dst(%dma_wait3A_78 : memref<56x128xf32, #tpu.memory_space<vmem>>)
    %dma_wait3A_85 = arith.constant 3 : i32
    %dma_wait3A_86 = arith.constant 3 : i32
    %dma_wait3A_87 = arith.constant 0 : i32
    %dma_wait3A_88 = arith.constant 0 : i32
    %dma_wait3A_89 = tpu.memref_slice %arg6[%dma_wait3A_86, %dma_wait3A_87, %dma_wait3A_88] : memref<4x56x128xf32, #tpu.memory_space<vmem>> -> memref<1x56x128xf32, #tpu.memory_space<vmem>>
    %dma_wait3A_90 = tpu.memref_squeeze %dma_wait3A_89 : memref<1x56x128xf32, #tpu.memory_space<vmem>> -> memref<56x128xf32, #tpu.memory_space<vmem>>
    %dma_wait3A_91 = arith.constant 0 : i32
    %dma_wait3A_92 = tpu.memref_slice %arg5[%dma_wait3A_85, %dma_wait3A_91] : memref<4x56xi32, #tpu.memory_space<vmem>> -> memref<1x56xi32, #tpu.memory_space<vmem>>
    %dma_wait3A_93 = tpu.memref_squeeze %dma_wait3A_92 : memref<1x56xi32, #tpu.memory_space<vmem>> -> memref<56xi32, #tpu.memory_space<vmem>>
    %dma_wait3A_94 = arith.constant 0 : i32
    %dma_wait3A_95 = arith.constant 0 : i32
    %dma_wait3A_96 = tpu.memref_slice %arg2[%dma_wait3A_94, %dma_wait3A_95] : memref<100096x128xf32, #tpu.memory_space<hbm>> -> memref<100096x128xf32, #tpu.memory_space<hbm>>
    tpu.wait_indirect_dma semaphore(%arg7 : memref<!tpu.dma_semaphore, #tpu.memory_space<semaphore_mem>>) src(%dma_wait3A_96 : memref<100096x128xf32, #tpu.memory_space<hbm>>) dst(%dma_wait3A_90 : memref<56x128xf32, #tpu.memory_space<vmem>>)
    "tpu.region"() ({
      %run_scoped3A = tpu.sem_alloc : memref<!tpu.dma_semaphore, #tpu.memory_space<semaphore_mem>>
      %dma_start3A_97 = arith.constant 0 : i32
      %dma_start3A_98 = arith.constant 0 : i32
      %dma_start3A_99 = tpu.memref_slice %arg4[%mul3A_2, %dma_start3A_97, %dma_start3A_98] : memref<128x56x128xf32, #tpu.memory_space<hbm>> -> memref<4x56x128xf32, #tpu.memory_space<hbm>>
      %dma_start3A_100 = arith.constant 0 : i32
      %dma_start3A_101 = arith.constant 0 : i32
      %dma_start3A_102 = tpu.memref_slice %arg4[%mul3A_2, %dma_start3A_100, %dma_start3A_101] : memref<128x56x128xf32, #tpu.memory_space<hbm>> -> memref<4x56x128xf32, #tpu.memory_space<hbm>>
      tpu.enqueue_dma source(%arg6 : memref<4x56x128xf32, #tpu.memory_space<vmem>>) target(%dma_start3A_102 : memref<4x56x128xf32, #tpu.memory_space<hbm>>) target_semaphore(%run_scoped3A : memref<!tpu.dma_semaphore, #tpu.memory_space<semaphore_mem>>)
      %dma_wait3A_103 = arith.constant 0 : i32
      %dma_wait3A_104 = arith.constant 0 : i32
      %dma_wait3A_105 = tpu.memref_slice %arg4[%mul3A_2, %dma_wait3A_103, %dma_wait3A_104] : memref<128x56x128xf32, #tpu.memory_space<hbm>> -> memref<4x56x128xf32, #tpu.memory_space<hbm>>
      %dma_wait3A_106 = arith.constant 0 : i32
      %dma_wait3A_107 = arith.constant 0 : i32
      %dma_wait3A_108 = tpu.memref_slice %arg4[%mul3A_2, %dma_wait3A_106, %dma_wait3A_107] : memref<128x56x128xf32, #tpu.memory_space<hbm>> -> memref<4x56x128xf32, #tpu.memory_space<hbm>>
      tpu.wait_dma2 semaphore(%run_scoped3A : memref<!tpu.dma_semaphore, #tpu.memory_space<semaphore_mem>>) src(%arg6 : memref<4x56x128xf32, #tpu.memory_space<vmem>>) dst(%dma_wait3A_108 : memref<4x56x128xf32, #tpu.memory_space<hbm>>)
      tpu.yield
    }) : () -> ()
    return
  }
}

module attributes {stable_mosaic.version = 14 : i64} {
  func.func @_k1_body(%arg0: i32, %arg1: memref<8x782x128xf32, #tpu.memory_space<vmem>>, %arg2: memref<8x782xf32, #tpu.memory_space<vmem>>, %arg3: memref<8x1xf32, #tpu.memory_space<vmem>>, %arg4: memref<8x1xf32, #tpu.memory_space<vmem>>) attributes {dimension_semantics = [#tpu.dimension_semantics<arbitrary>], iteration_bounds = array<i64: 16>, scalar_prefetch = 0 : i64, scratch_operands = 0 : i64, tpu.core_type = #tpu.core_type<tc>, window_params = [{transform_indices = @transform_0, window_bounds = array<i64: 8, 782, 128>}, {transform_indices = @transform_1, window_bounds = array<i64: 8, 782>}, {transform_indices = @transform_2, window_bounds = array<i64: 8, 1>}, {transform_indices = @transform_3, window_bounds = array<i64: 8, 1>}]} {
    %get3A = arith.constant 0 : index
    %get3A_0 = arith.constant 0 : index
    %get3A_1 = arith.constant 0 : index
    %get3A_2 = vector.load %arg1[%get3A, %get3A_0, %get3A_1] : memref<8x782x128xf32, #tpu.memory_space<vmem>>, vector<8x782x128xf32>
    %reduce_max3A = arith.constant dense<0xFF800000> : vector<8x782xf32>
    %reduce_max3A_3 = vector.multi_reduction <maximumf>, %get3A_2, %reduce_max3A [2] : vector<8x782x128xf32> to vector<8x782xf32>
    %reduce_max3A_4 = arith.constant dense<0xFF800000> : vector<8xf32>
    %reduce_max3A_5 = vector.multi_reduction <maximumf>, %reduce_max3A_3, %reduce_max3A_4 [1] : vector<8x782xf32> to vector<8xf32>
    %broadcast_in_dim3A = vector.shape_cast %reduce_max3A_5 : vector<8xf32> to vector<8x1xf32>
    %broadcast_in_dim3A_6 = vector.shape_cast %broadcast_in_dim3A : vector<8x1xf32> to vector<8x1x1xf32>
    %sub3A = vector.broadcast %broadcast_in_dim3A_6 : vector<8x1x1xf32> to vector<8x782x128xf32>
    %sub3A_7 = arith.subf %get3A_2, %sub3A : vector<8x782x128xf32>
    %exp3A = math.exp %sub3A_7 : vector<8x782x128xf32>
    %reduce_sum3A = arith.constant dense<0.000000e+00> : vector<8x782xf32>
    %reduce_sum3A_8 = vector.multi_reduction <add>, %exp3A, %reduce_sum3A [2] : vector<8x782x128xf32> to vector<8x782xf32>
    %reduce_sum3A_9 = arith.constant dense<0.000000e+00> : vector<8xf32>
    %reduce_sum3A_10 = vector.multi_reduction <add>, %reduce_sum3A_8, %reduce_sum3A_9 [1] : vector<8x782xf32> to vector<8xf32>
    %broadcast_in_dim3A_11 = vector.shape_cast %reduce_sum3A_10 : vector<8xf32> to vector<8x1xf32>
    %swap3A = arith.constant 0 : index
    %swap3A_12 = arith.constant 0 : index
    %swap3A_13 = vector.load %arg2[%swap3A, %swap3A_12] : memref<8x782xf32, #tpu.memory_space<vmem>>, vector<8x782xf32>
    tpu.vector_store %arg2[%swap3A, %swap3A_12], %reduce_max3A_3 {strides = array<i32>} : memref<8x782xf32, #tpu.memory_space<vmem>>, vector<8x782xf32>,
    %swap3A_14 = arith.constant 0 : index
    %swap3A_15 = arith.constant 0 : index
    %swap3A_16 = vector.load %arg3[%swap3A_14, %swap3A_15] : memref<8x1xf32, #tpu.memory_space<vmem>>, vector<8x1xf32>
    tpu.vector_store %arg3[%swap3A_14, %swap3A_15], %broadcast_in_dim3A {strides = array<i32>} : memref<8x1xf32, #tpu.memory_space<vmem>>, vector<8x1xf32>,
    %swap3A_17 = arith.constant 0 : index
    %swap3A_18 = arith.constant 0 : index
    %swap3A_19 = vector.load %arg4[%swap3A_17, %swap3A_18] : memref<8x1xf32, #tpu.memory_space<vmem>>, vector<8x1xf32>
    tpu.vector_store %arg4[%swap3A_17, %swap3A_18], %broadcast_in_dim3A_11 {strides = array<i32>} : memref<8x1xf32, #tpu.memory_space<vmem>>, vector<8x1xf32>,
    return
  }
  func.func @transform_0(%arg0: i32) -> (i32, i32, i32) {
    %c0_i32 = arith.constant 0 : i32
    %c0_i32_0 = arith.constant 0 : i32
    %c0_i32_1 = arith.constant 0 : i32
    return %arg0, %c0_i32, %c0_i32_0 : i32, i32, i32
  }
  func.func @transform_1(%arg0: i32) -> (i32, i32) {
    %c0_i32 = arith.constant 0 : i32
    %c0_i32_0 = arith.constant 0 : i32
    return %arg0, %c0_i32 : i32, i32
  }
  func.func @transform_2(%arg0: i32) -> (i32, i32) {
    %c0_i32 = arith.constant 0 : i32
    %c0_i32_0 = arith.constant 0 : i32
    return %arg0, %c0_i32 : i32, i32
  }
  func.func @transform_3(%arg0: i32) -> (i32, i32) {
    %c0_i32 = arith.constant 0 : i32
    %c0_i32_0 = arith.constant 0 : i32
    return %arg0, %c0_i32 : i32, i32
  }
}

module attributes {stable_mosaic.version = 14 : i64} {
  func.func @_k2_body(%arg0: memref<128x782xf32, #tpu.memory_space<vmem>>, %arg1: memref<128x56xi32, #tpu.memory_space<vmem>>, %arg2: memref<128x782xf32, #tpu.memory_space<vmem>>, %arg3: memref<128x56xi32, #tpu.memory_space<vmem>>) attributes {dimension_semantics = [], scalar_prefetch = 0 : i64, scratch_operands = 2 : i64, tpu.core_type = #tpu.core_type<tc>} {
    %iota3A = tpu.iota {dimensions = array<i32: 0>} : vector<128x1xi32>
    %iota3A_0 = tpu.iota {dimensions = array<i32: 1>} : vector<128x782xi32>
    %iota3A_1 = tpu.iota {dimensions = array<i32: 1>} : vector<128x56xi32>
    %get3A = arith.constant 0 : index
    %get3A_2 = arith.constant 0 : index
    %get3A_3 = vector.load %arg0[%get3A, %get3A_2] : memref<128x782xf32, #tpu.memory_space<vmem>>, vector<128x782xf32>
    %swap3A = arith.constant 0 : index
    %swap3A_4 = arith.constant 0 : index
    %swap3A_5 = vector.load %arg2[%swap3A, %swap3A_4] : memref<128x782xf32, #tpu.memory_space<vmem>>, vector<128x782xf32>
    tpu.vector_store %arg2[%swap3A, %swap3A_4], %get3A_3 {strides = array<i32>} : memref<128x782xf32, #tpu.memory_space<vmem>>, vector<128x782xf32>,
    %mul3A = arith.constant 782 : i32
    %mul3A_6 = vector.broadcast %mul3A : i32 to vector<128x1xi32>
    %mul3A_7 = arith.muli %iota3A, %mul3A_6 : vector<128x1xi32>
    %broadcast_in_dim3A = vector.shape_cast %mul3A_7 : vector<128x1xi32> to vector<128x1xi32>
    %broadcast_in_dim3A_8 = vector.broadcast %broadcast_in_dim3A : vector<128x1xi32> to vector<128x56xi32>
    %swap3A_9 = arith.constant 0 : index
    %swap3A_10 = arith.constant 0 : index
    %swap3A_11 = vector.load %arg3[%swap3A_9, %swap3A_10] : memref<128x56xi32, #tpu.memory_space<vmem>>, vector<128x56xi32>
    tpu.vector_store %arg3[%swap3A_9, %swap3A_10], %broadcast_in_dim3A_8 {strides = array<i32>} : memref<128x56xi32, #tpu.memory_space<vmem>>, vector<128x56xi32>,
    %scan3A = arith.constant 0 : i32
    %scan3A_12 = arith.constant 50 : i32
    %scan3A_13 = arith.addi %scan3A, %scan3A_12 : i32
    %scan3A_14 = arith.constant 1 : i32
    scf.for %scan3A_22 = %scan3A to %scan3A_13 step %scan3A_14  : i32 {
      %get3A_23 = arith.constant 0 : index
      %get3A_24 = arith.constant 0 : index
      %get3A_25 = vector.load %arg2[%get3A_23, %get3A_24] : memref<128x782xf32, #tpu.memory_space<vmem>>, vector<128x782xf32>
      %reduce_max3A = arith.constant dense<0xFF800000> : vector<128xf32>
      %reduce_max3A_26 = vector.multi_reduction <maximumf>, %get3A_25, %reduce_max3A [1] : vector<128x782xf32> to vector<128xf32>
      %broadcast_in_dim3A_27 = vector.shape_cast %reduce_max3A_26 : vector<128xf32> to vector<128x1xf32>
      %eq3A = vector.broadcast %broadcast_in_dim3A_27 : vector<128x1xf32> to vector<128x782xf32>
      %eq3A_28 = arith.cmpf oeq, %get3A_25, %eq3A : vector<128x782xf32>
      %jit3A = arith.constant 1073741824 : i32
      %broadcast_in_dim3A_29 = vector.broadcast %jit3A : i32 to vector<128x782xi32>
      %select_n3A = arith.select %eq3A_28, %iota3A_0, %broadcast_in_dim3A_29 : vector<128x782xi1>, vector<128x782xi32>
      %reduce_min3A = arith.constant dense<2147483647> : vector<128xi32>
      %reduce_min3A_30 = vector.multi_reduction <minsi>, %select_n3A, %reduce_min3A [1] : vector<128x782xi32> to vector<128xi32>
      %broadcast_in_dim3A_31 = vector.shape_cast %reduce_min3A_30 : vector<128xi32> to vector<128x1xi32>
      %eq3A_32 = vector.broadcast %scan3A_22 : i32 to vector<128x56xi32>
      %eq3A_33 = arith.cmpi eq, %iota3A_1, %eq3A_32 : vector<128x56xi32>
      %mul3A_34 = arith.constant 782 : i32
      %mul3A_35 = vector.broadcast %mul3A_34 : i32 to vector<128x1xi32>
      %mul3A_36 = arith.muli %iota3A, %mul3A_35 : vector<128x1xi32>
      %add3A = arith.addi %mul3A_36, %broadcast_in_dim3A_31 : vector<128x1xi32>
      %get3A_37 = arith.constant 0 : index
      %get3A_38 = arith.constant 0 : index
      %get3A_39 = vector.load %arg3[%get3A_37, %get3A_38] : memref<128x56xi32, #tpu.memory_space<vmem>>, vector<128x56xi32>
      %broadcast_in_dim3A_40 = vector.shape_cast %add3A : vector<128x1xi32> to vector<128x1xi32>
      %broadcast_in_dim3A_41 = vector.broadcast %broadcast_in_dim3A_40 : vector<128x1xi32> to vector<128x56xi32>
      %select_n3A_42 = arith.select %eq3A_33, %broadcast_in_dim3A_41, %get3A_39 : vector<128x56xi1>, vector<128x56xi32>
      %swap3A_43 = arith.constant 0 : index
      %swap3A_44 = arith.constant 0 : index
      %swap3A_45 = vector.load %arg3[%swap3A_43, %swap3A_44] : memref<128x56xi32, #tpu.memory_space<vmem>>, vector<128x56xi32>
      tpu.vector_store %arg3[%swap3A_43, %swap3A_44], %select_n3A_42 {strides = array<i32>} : memref<128x56xi32, #tpu.memory_space<vmem>>, vector<128x56xi32>,
      %eq3A_46 = vector.broadcast %broadcast_in_dim3A_31 : vector<128x1xi32> to vector<128x782xi32>
      %eq3A_47 = arith.cmpi eq, %iota3A_0, %eq3A_46 : vector<128x782xi32>
      %jit3A_48 = arith.constant 0xFF800000 : f32
      %broadcast_in_dim3A_49 = vector.broadcast %jit3A_48 : f32 to vector<128x782xf32>
      %select_n3A_50 = arith.select %eq3A_47, %broadcast_in_dim3A_49, %get3A_25 : vector<128x782xi1>, vector<128x782xf32>
      %swap3A_51 = arith.constant 0 : index
      %swap3A_52 = arith.constant 0 : index
      %swap3A_53 = vector.load %arg2[%swap3A_51, %swap3A_52] : memref<128x782xf32, #tpu.memory_space<vmem>>, vector<128x782xf32>
      tpu.vector_store %arg2[%swap3A_51, %swap3A_52], %select_n3A_50 {strides = array<i32>} : memref<128x782xf32, #tpu.memory_space<vmem>>, vector<128x782xf32>,
    }
    %scan3A_15 = arith.constant 50 : i32
    %get3A_16 = arith.constant 0 : index
    %get3A_17 = arith.constant 0 : index
    %get3A_18 = vector.load %arg3[%get3A_16, %get3A_17] : memref<128x56xi32, #tpu.memory_space<vmem>>, vector<128x56xi32>
    %swap3A_19 = arith.constant 0 : index
    %swap3A_20 = arith.constant 0 : index
    %swap3A_21 = vector.load %arg1[%swap3A_19, %swap3A_20] : memref<128x56xi32, #tpu.memory_space<vmem>>, vector<128x56xi32>
    tpu.vector_store %arg1[%swap3A_19, %swap3A_20], %get3A_18 {strides = array<i32>} : memref<128x56xi32, #tpu.memory_space<vmem>>, vector<128x56xi32>,
    return
  }
}

module attributes {stable_mosaic.version = 14 : i64} {
  func.func @_k4_body(%arg0: memref<128x56x128xf32, #tpu.memory_space<vmem>>, %arg1: memref<128x56xi32, #tpu.memory_space<vmem>>, %arg2: memref<128x1xf32, #tpu.memory_space<vmem>>, %arg3: memref<128x1xf32, #tpu.memory_space<vmem>>, %arg4: memref<128x1xf32, #tpu.memory_space<vmem>>, %arg5: memref<128x1xf32, #tpu.memory_space<vmem>>, %arg6: memref<128x1xi32, #tpu.memory_space<vmem>>, %arg7: memref<128x1xi32, #tpu.memory_space<vmem>>, %arg8: memref<128x20xf32, #tpu.memory_space<vmem>>, %arg9: memref<128x20xi32, #tpu.memory_space<vmem>>, %arg10: memref<128x1xf32, #tpu.memory_space<vmem>>, %arg11: memref<128x56x128xf32, #tpu.memory_space<vmem>>, %arg12: memref<128x56x128xi32, #tpu.memory_space<vmem>>, %arg13: memref<128x64xf32, #tpu.memory_space<vmem>>, %arg14: memref<128x64xi32, #tpu.memory_space<vmem>>) attributes {dimension_semantics = [], scalar_prefetch = 0 : i64, scratch_operands = 4 : i64, tpu.core_type = #tpu.core_type<tc>} {
    %iota3A = tpu.iota {dimensions = array<i32: 0>} : vector<128x1xi32>
    %iota3A_0 = tpu.iota {dimensions = array<i32: 1>} : vector<128x56x128xi32>
    %iota3A_1 = tpu.iota {dimensions = array<i32: 2>} : vector<128x56x128xi32>
    %iota3A_2 = tpu.iota {dimensions = array<i32: 1>} : vector<128x64xi32>
    %get3A = arith.constant 0 : index
    %get3A_3 = arith.constant 0 : index
    %get3A_4 = vector.load %arg1[%get3A, %get3A_3] : memref<128x56xi32, #tpu.memory_space<vmem>>, vector<128x56xi32>
    %mul3A = arith.constant 782 : i32
    %mul3A_5 = vector.broadcast %mul3A : i32 to vector<128x1xi32>
    %mul3A_6 = arith.muli %iota3A, %mul3A_5 : vector<128x1xi32>
    %sub3A = vector.broadcast %mul3A_6 : vector<128x1xi32> to vector<128x56xi32>
    %sub3A_7 = arith.subi %get3A_4, %sub3A : vector<128x56xi32>
    %broadcast_in_dim3A = vector.shape_cast %sub3A_7 : vector<128x56xi32> to vector<128x56x1xi32>
    %mul3A_8 = arith.constant 128 : i32
    %mul3A_9 = vector.broadcast %mul3A_8 : i32 to vector<128x56x1xi32>
    %mul3A_10 = arith.muli %broadcast_in_dim3A, %mul3A_9 : vector<128x56x1xi32>
    %add3A = vector.broadcast %mul3A_10 : vector<128x56x1xi32> to vector<128x56x128xi32>
    %add3A_11 = arith.addi %add3A, %iota3A_1 : vector<128x56x128xi32>
    %swap3A = arith.constant 0 : index
    %swap3A_12 = arith.constant 0 : index
    %swap3A_13 = arith.constant 0 : index
    %swap3A_14 = vector.load %arg12[%swap3A, %swap3A_12, %swap3A_13] : memref<128x56x128xi32, #tpu.memory_space<vmem>>, vector<128x56x128xi32>
    tpu.vector_store %arg12[%swap3A, %swap3A_12, %swap3A_13], %add3A_11 {strides = array<i32>} : memref<128x56x128xi32, #tpu.memory_space<vmem>>, vector<128x56x128xi32>,
    %lt3A = arith.constant 50 : i32
    %lt3A_15 = vector.broadcast %lt3A : i32 to vector<128x56x128xi32>
    %lt3A_16 = arith.cmpi slt, %iota3A_0, %lt3A_15 : vector<128x56x128xi32>
    %get3A_17 = arith.constant 0 : index
    %get3A_18 = arith.constant 0 : index
    %get3A_19 = arith.constant 0 : index
    %get3A_20 = vector.load %arg0[%get3A_17, %get3A_18, %get3A_19] : memref<128x56x128xf32, #tpu.memory_space<vmem>>, vector<128x56x128xf32>
    %jit3A = arith.constant 0xFF800000 : f32
    %broadcast_in_dim3A_21 = vector.broadcast %jit3A : f32 to vector<128x56x128xf32>
    %select_n3A = arith.select %lt3A_16, %get3A_20, %broadcast_in_dim3A_21 : vector<128x56x128xi1>, vector<128x56x128xf32>
    %swap3A_22 = arith.constant 0 : index
    %swap3A_23 = arith.constant 0 : index
    %swap3A_24 = arith.constant 0 : index
    %swap3A_25 = vector.load %arg11[%swap3A_22, %swap3A_23, %swap3A_24] : memref<128x56x128xf32, #tpu.memory_space<vmem>>, vector<128x56x128xf32>
    tpu.vector_store %arg11[%swap3A_22, %swap3A_23, %swap3A_24], %select_n3A {strides = array<i32>} : memref<128x56x128xf32, #tpu.memory_space<vmem>>, vector<128x56x128xf32>,
    %broadcast_in_dim3A_26 = arith.constant 0xFF800000 : f32
    %broadcast_in_dim3A_27 = vector.broadcast %broadcast_in_dim3A_26 : f32 to vector<128x64xf32>
    %swap3A_28 = arith.constant 0 : index
    %swap3A_29 = arith.constant 0 : index
    %swap3A_30 = vector.load %arg13[%swap3A_28, %swap3A_29] : memref<128x64xf32, #tpu.memory_space<vmem>>, vector<128x64xf32>
    tpu.vector_store %arg13[%swap3A_28, %swap3A_29], %broadcast_in_dim3A_27 {strides = array<i32>} : memref<128x64xf32, #tpu.memory_space<vmem>>, vector<128x64xf32>,
    %broadcast_in_dim3A_31 = arith.constant 1073741824 : i32
    %broadcast_in_dim3A_32 = vector.broadcast %broadcast_in_dim3A_31 : i32 to vector<128x64xi32>
    %swap3A_33 = arith.constant 0 : index
    %swap3A_34 = arith.constant 0 : index
    %swap3A_35 = vector.load %arg14[%swap3A_33, %swap3A_34] : memref<128x64xi32, #tpu.memory_space<vmem>>, vector<128x64xi32>
    tpu.vector_store %arg14[%swap3A_33, %swap3A_34], %broadcast_in_dim3A_32 {strides = array<i32>} : memref<128x64xi32, #tpu.memory_space<vmem>>, vector<128x64xi32>,
    %scan3A = arith.constant 0 : i32
    %scan3A_36 = arith.constant 50 : i32
    %scan3A_37 = arith.addi %scan3A, %scan3A_36 : i32
    %scan3A_38 = arith.constant 1 : i32
    scf.for %scan3A_427 = %scan3A to %scan3A_37 step %scan3A_38  : i32 {
      %get3A_428 = arith.constant 0 : index
      %get3A_429 = arith.constant 0 : index
      %get3A_430 = arith.constant 0 : index
      %get3A_431 = vector.load %arg11[%get3A_428, %get3A_429, %get3A_430] : memref<128x56x128xf32, #tpu.memory_space<vmem>>, vector<128x56x128xf32>
      %reduce_max3A_432 = arith.constant dense<0xFF800000> : vector<128x56xf32>
      %reduce_max3A_433 = vector.multi_reduction <maximumf>, %get3A_431, %reduce_max3A_432 [2] : vector<128x56x128xf32> to vector<128x56xf32>
      %reduce_max3A_434 = arith.constant dense<0xFF800000> : vector<128xf32>
      %reduce_max3A_435 = vector.multi_reduction <maximumf>, %reduce_max3A_433, %reduce_max3A_434 [1] : vector<128x56xf32> to vector<128xf32>
      %broadcast_in_dim3A_436 = vector.shape_cast %reduce_max3A_435 : vector<128xf32> to vector<128x1xf32>
      %broadcast_in_dim3A_437 = vector.shape_cast %broadcast_in_dim3A_436 : vector<128x1xf32> to vector<128x1x1xf32>
      %eq3A_438 = vector.broadcast %broadcast_in_dim3A_437 : vector<128x1x1xf32> to vector<128x56x128xf32>
      %eq3A_439 = arith.cmpf oeq, %get3A_431, %eq3A_438 : vector<128x56x128xf32>
      %get3A_440 = arith.constant 0 : index
      %get3A_441 = arith.constant 0 : index
      %get3A_442 = arith.constant 0 : index
      %get3A_443 = vector.load %arg12[%get3A_440, %get3A_441, %get3A_442] : memref<128x56x128xi32, #tpu.memory_space<vmem>>, vector<128x56x128xi32>
      %jit3A_444 = arith.constant 1073741824 : i32
      %broadcast_in_dim3A_445 = vector.broadcast %jit3A_444 : i32 to vector<128x56x128xi32>
      %select_n3A_446 = arith.select %eq3A_439, %get3A_443, %broadcast_in_dim3A_445 : vector<128x56x128xi1>, vector<128x56x128xi32>
      %reduce_min3A_447 = arith.constant dense<2147483647> : vector<128x56xi32>
      %reduce_min3A_448 = vector.multi_reduction <minsi>, %select_n3A_446, %reduce_min3A_447 [2] : vector<128x56x128xi32> to vector<128x56xi32>
      %reduce_min3A_449 = arith.constant dense<2147483647> : vector<128xi32>
      %reduce_min3A_450 = vector.multi_reduction <minsi>, %reduce_min3A_448, %reduce_min3A_449 [1] : vector<128x56xi32> to vector<128xi32>
      %broadcast_in_dim3A_451 = vector.shape_cast %reduce_min3A_450 : vector<128xi32> to vector<128x1xi32>
      %broadcast_in_dim3A_452 = vector.shape_cast %broadcast_in_dim3A_451 : vector<128x1xi32> to vector<128x1x1xi32>
      %eq3A_453 = vector.broadcast %broadcast_in_dim3A_452 : vector<128x1x1xi32> to vector<128x56x128xi32>
      %eq3A_454 = arith.cmpi eq, %get3A_443, %eq3A_453 : vector<128x56x128xi32>
      %and3A_455 = arith.andi %eq3A_439, %eq3A_454 : vector<128x56x128xi1>
      %eq3A_456 = vector.broadcast %scan3A_427 : i32 to vector<128x64xi32>
      %eq3A_457 = arith.cmpi eq, %iota3A_2, %eq3A_456 : vector<128x64xi32>
      %get3A_458 = arith.constant 0 : index
      %get3A_459 = arith.constant 0 : index
      %get3A_460 = vector.load %arg13[%get3A_458, %get3A_459] : memref<128x64xf32, #tpu.memory_space<vmem>>, vector<128x64xf32>
      %broadcast_in_dim3A_461 = vector.shape_cast %broadcast_in_dim3A_436 : vector<128x1xf32> to vector<128x1xf32>
      %broadcast_in_dim3A_462 = vector.broadcast %broadcast_in_dim3A_461 : vector<128x1xf32> to vector<128x64xf32>
      %select_n3A_463 = arith.select %eq3A_457, %broadcast_in_dim3A_462, %get3A_460 : vector<128x64xi1>, vector<128x64xf32>
      %swap3A_464 = arith.constant 0 : index
      %swap3A_465 = arith.constant 0 : index
      %swap3A_466 = vector.load %arg13[%swap3A_464, %swap3A_465] : memref<128x64xf32, #tpu.memory_space<vmem>>, vector<128x64xf32>
      tpu.vector_store %arg13[%swap3A_464, %swap3A_465], %select_n3A_463 {strides = array<i32>} : memref<128x64xf32, #tpu.memory_space<vmem>>, vector<128x64xf32>,
      %get3A_467 = arith.constant 0 : index
      %get3A_468 = arith.constant 0 : index
      %get3A_469 = vector.load %arg14[%get3A_467, %get3A_468] : memref<128x64xi32, #tpu.memory_space<vmem>>, vector<128x64xi32>
      %broadcast_in_dim3A_470 = vector.shape_cast %broadcast_in_dim3A_451 : vector<128x1xi32> to vector<128x1xi32>
      %broadcast_in_dim3A_471 = vector.broadcast %broadcast_in_dim3A_470 : vector<128x1xi32> to vector<128x64xi32>
      %select_n3A_472 = arith.select %eq3A_457, %broadcast_in_dim3A_471, %get3A_469 : vector<128x64xi1>, vector<128x64xi32>
      %swap3A_473 = arith.constant 0 : index
      %swap3A_474 = arith.constant 0 : index
      %swap3A_475 = vector.load %arg14[%swap3A_473, %swap3A_474] : memref<128x64xi32, #tpu.memory_space<vmem>>, vector<128x64xi32>
      tpu.vector_store %arg14[%swap3A_473, %swap3A_474], %select_n3A_472 {strides = array<i32>} : memref<128x64xi32, #tpu.memory_space<vmem>>, vector<128x64xi32>,
      %jit3A_476 = arith.constant 0xFF800000 : f32
      %broadcast_in_dim3A_477 = vector.broadcast %jit3A_476 : f32 to vector<128x56x128xf32>
      %select_n3A_478 = arith.select %and3A_455, %broadcast_in_dim3A_477, %get3A_431 : vector<128x56x128xi1>, vector<128x56x128xf32>
      %swap3A_479 = arith.constant 0 : index
      %swap3A_480 = arith.constant 0 : index
      %swap3A_481 = arith.constant 0 : index
      %swap3A_482 = vector.load %arg11[%swap3A_479, %swap3A_480, %swap3A_481] : memref<128x56x128xf32, #tpu.memory_space<vmem>>, vector<128x56x128xf32>
      tpu.vector_store %arg11[%swap3A_479, %swap3A_480, %swap3A_481], %select_n3A_478 {strides = array<i32>} : memref<128x56x128xf32, #tpu.memory_space<vmem>>, vector<128x56x128xf32>,
    }
    %scan3A_39 = arith.constant 50 : i32
    %get3A_40 = arith.constant 0 : index
    %get3A_41 = arith.constant 0 : index
    %get3A_42 = vector.load %arg13[%get3A_40, %get3A_41] : memref<128x64xf32, #tpu.memory_space<vmem>>, vector<128x64xf32>
    %get3A_43 = arith.constant 0 : index
    %get3A_44 = arith.constant 0 : index
    %get3A_45 = vector.load %arg14[%get3A_43, %get3A_44] : memref<128x64xi32, #tpu.memory_space<vmem>>, vector<128x64xi32>
    %mul3A_46 = arith.constant 100000 : i32
    %mul3A_47 = vector.broadcast %mul3A_46 : i32 to vector<128x1xi32>
    %mul3A_48 = arith.muli %iota3A, %mul3A_47 : vector<128x1xi32>
    %add3A_49 = vector.broadcast %mul3A_48 : vector<128x1xi32> to vector<128x64xi32>
    %add3A_50 = arith.addi %add3A_49, %get3A_45 : vector<128x64xi32>
    %xor3A = arith.constant 0 : i32
    %xor3A_51 = arith.constant 42 : i32
    %xor3A_52 = arith.xori %xor3A, %xor3A_51 : i32
    %xor3A_53 = arith.constant 466688986 : i32
    %xor3A_54 = arith.xori %xor3A_52, %xor3A_53 : i32
    %broadcast_in_dim3A_55 = arith.constant 0 : i32
    %broadcast_in_dim3A_56 = vector.broadcast %broadcast_in_dim3A_55 : i32 to vector<128x64xi32>
    %add3A_57 = arith.constant 0 : i32
    %add3A_58 = vector.broadcast %add3A_57 : i32 to vector<128x64xi32>
    %add3A_59 = arith.addi %broadcast_in_dim3A_56, %add3A_58 : vector<128x64xi32>
    %add3A_60 = arith.constant 42 : i32
    %add3A_61 = vector.broadcast %add3A_60 : i32 to vector<128x64xi32>
    %add3A_62 = arith.addi %add3A_50, %add3A_61 : vector<128x64xi32>
    %add3A_63 = arith.addi %add3A_59, %add3A_62 : vector<128x64xi32>
    %shift_left3A = arith.constant 13 : i32
    %shift_left3A_64 = vector.broadcast %shift_left3A : i32 to vector<128x64xi32>
    %shift_left3A_65 = arith.shli %add3A_62, %shift_left3A_64 : vector<128x64xi32>
    %shift_right_logical3A = arith.constant 19 : i32
    %shift_right_logical3A_66 = vector.broadcast %shift_right_logical3A : i32 to vector<128x64xi32>
    %shift_right_logical3A_67 = arith.shrui %add3A_62, %shift_right_logical3A_66 : vector<128x64xi32>
    %or3A = arith.ori %shift_left3A_65, %shift_right_logical3A_67 : vector<128x64xi32>
    %xor3A_68 = arith.xori %add3A_63, %or3A : vector<128x64xi32>
    %add3A_69 = arith.addi %add3A_63, %xor3A_68 : vector<128x64xi32>
    %shift_left3A_70 = arith.constant 15 : i32
    %shift_left3A_71 = vector.broadcast %shift_left3A_70 : i32 to vector<128x64xi32>
    %shift_left3A_72 = arith.shli %xor3A_68, %shift_left3A_71 : vector<128x64xi32>
    %shift_right_logical3A_73 = arith.constant 17 : i32
    %shift_right_logical3A_74 = vector.broadcast %shift_right_logical3A_73 : i32 to vector<128x64xi32>
    %shift_right_logical3A_75 = arith.shrui %xor3A_68, %shift_right_logical3A_74 : vector<128x64xi32>
    %or3A_76 = arith.ori %shift_left3A_72, %shift_right_logical3A_75 : vector<128x64xi32>
    %xor3A_77 = arith.xori %add3A_69, %or3A_76 : vector<128x64xi32>
    %add3A_78 = arith.addi %add3A_69, %xor3A_77 : vector<128x64xi32>
    %shift_left3A_79 = arith.constant 26 : i32
    %shift_left3A_80 = vector.broadcast %shift_left3A_79 : i32 to vector<128x64xi32>
    %shift_left3A_81 = arith.shli %xor3A_77, %shift_left3A_80 : vector<128x64xi32>
    %shift_right_logical3A_82 = arith.constant 6 : i32
    %shift_right_logical3A_83 = vector.broadcast %shift_right_logical3A_82 : i32 to vector<128x64xi32>
    %shift_right_logical3A_84 = arith.shrui %xor3A_77, %shift_right_logical3A_83 : vector<128x64xi32>
    %or3A_85 = arith.ori %shift_left3A_81, %shift_right_logical3A_84 : vector<128x64xi32>
    %xor3A_86 = arith.xori %add3A_78, %or3A_85 : vector<128x64xi32>
    %add3A_87 = arith.addi %add3A_78, %xor3A_86 : vector<128x64xi32>
    %shift_left3A_88 = arith.constant 6 : i32
    %shift_left3A_89 = vector.broadcast %shift_left3A_88 : i32 to vector<128x64xi32>
    %shift_left3A_90 = arith.shli %xor3A_86, %shift_left3A_89 : vector<128x64xi32>
    %shift_right_logical3A_91 = arith.constant 26 : i32
    %shift_right_logical3A_92 = vector.broadcast %shift_right_logical3A_91 : i32 to vector<128x64xi32>
    %shift_right_logical3A_93 = arith.shrui %xor3A_86, %shift_right_logical3A_92 : vector<128x64xi32>
    %or3A_94 = arith.ori %shift_left3A_90, %shift_right_logical3A_93 : vector<128x64xi32>
    %xor3A_95 = arith.xori %add3A_87, %or3A_94 : vector<128x64xi32>
    %add3A_96 = arith.constant 42 : i32
    %add3A_97 = vector.broadcast %add3A_96 : i32 to vector<128x64xi32>
    %add3A_98 = arith.addi %add3A_87, %add3A_97 : vector<128x64xi32>
    %add3A_99 = vector.broadcast %xor3A_54 : i32 to vector<128x64xi32>
    %add3A_100 = arith.addi %xor3A_95, %add3A_99 : vector<128x64xi32>
    %add3A_101 = arith.constant 1 : i32
    %add3A_102 = vector.broadcast %add3A_101 : i32 to vector<128x64xi32>
    %add3A_103 = arith.addi %add3A_100, %add3A_102 : vector<128x64xi32>
    %add3A_104 = arith.addi %add3A_98, %add3A_103 : vector<128x64xi32>
    %shift_left3A_105 = arith.constant 17 : i32
    %shift_left3A_106 = vector.broadcast %shift_left3A_105 : i32 to vector<128x64xi32>
    %shift_left3A_107 = arith.shli %add3A_103, %shift_left3A_106 : vector<128x64xi32>
    %shift_right_logical3A_108 = arith.constant 15 : i32
    %shift_right_logical3A_109 = vector.broadcast %shift_right_logical3A_108 : i32 to vector<128x64xi32>
    %shift_right_logical3A_110 = arith.shrui %add3A_103, %shift_right_logical3A_109 : vector<128x64xi32>
    %or3A_111 = arith.ori %shift_left3A_107, %shift_right_logical3A_110 : vector<128x64xi32>
    %xor3A_112 = arith.xori %add3A_104, %or3A_111 : vector<128x64xi32>
    %add3A_113 = arith.addi %add3A_104, %xor3A_112 : vector<128x64xi32>
    %shift_left3A_114 = arith.constant 29 : i32
    %shift_left3A_115 = vector.broadcast %shift_left3A_114 : i32 to vector<128x64xi32>
    %shift_left3A_116 = arith.shli %xor3A_112, %shift_left3A_115 : vector<128x64xi32>
    %shift_right_logical3A_117 = arith.constant 3 : i32
    %shift_right_logical3A_118 = vector.broadcast %shift_right_logical3A_117 : i32 to vector<128x64xi32>
    %shift_right_logical3A_119 = arith.shrui %xor3A_112, %shift_right_logical3A_118 : vector<128x64xi32>
    %or3A_120 = arith.ori %shift_left3A_116, %shift_right_logical3A_119 : vector<128x64xi32>
    %xor3A_121 = arith.xori %add3A_113, %or3A_120 : vector<128x64xi32>
    %add3A_122 = arith.addi %add3A_113, %xor3A_121 : vector<128x64xi32>
    %shift_left3A_123 = arith.constant 16 : i32
    %shift_left3A_124 = vector.broadcast %shift_left3A_123 : i32 to vector<128x64xi32>
    %shift_left3A_125 = arith.shli %xor3A_121, %shift_left3A_124 : vector<128x64xi32>
    %shift_right_logical3A_126 = arith.constant 16 : i32
    %shift_right_logical3A_127 = vector.broadcast %shift_right_logical3A_126 : i32 to vector<128x64xi32>
    %shift_right_logical3A_128 = arith.shrui %xor3A_121, %shift_right_logical3A_127 : vector<128x64xi32>
    %or3A_129 = arith.ori %shift_left3A_125, %shift_right_logical3A_128 : vector<128x64xi32>
    %xor3A_130 = arith.xori %add3A_122, %or3A_129 : vector<128x64xi32>
    %add3A_131 = arith.addi %add3A_122, %xor3A_130 : vector<128x64xi32>
    %shift_left3A_132 = arith.constant 24 : i32
    %shift_left3A_133 = vector.broadcast %shift_left3A_132 : i32 to vector<128x64xi32>
    %shift_left3A_134 = arith.shli %xor3A_130, %shift_left3A_133 : vector<128x64xi32>
    %shift_right_logical3A_135 = arith.constant 8 : i32
    %shift_right_logical3A_136 = vector.broadcast %shift_right_logical3A_135 : i32 to vector<128x64xi32>
    %shift_right_logical3A_137 = arith.shrui %xor3A_130, %shift_right_logical3A_136 : vector<128x64xi32>
    %or3A_138 = arith.ori %shift_left3A_134, %shift_right_logical3A_137 : vector<128x64xi32>
    %xor3A_139 = arith.xori %add3A_131, %or3A_138 : vector<128x64xi32>
    %add3A_140 = vector.broadcast %xor3A_54 : i32 to vector<128x64xi32>
    %add3A_141 = arith.addi %add3A_131, %add3A_140 : vector<128x64xi32>
    %add3A_142 = arith.constant 0 : i32
    %add3A_143 = vector.broadcast %add3A_142 : i32 to vector<128x64xi32>
    %add3A_144 = arith.addi %xor3A_139, %add3A_143 : vector<128x64xi32>
    %add3A_145 = arith.constant 2 : i32
    %add3A_146 = vector.broadcast %add3A_145 : i32 to vector<128x64xi32>
    %add3A_147 = arith.addi %add3A_144, %add3A_146 : vector<128x64xi32>
    %add3A_148 = arith.addi %add3A_141, %add3A_147 : vector<128x64xi32>
    %shift_left3A_149 = arith.constant 13 : i32
    %shift_left3A_150 = vector.broadcast %shift_left3A_149 : i32 to vector<128x64xi32>
    %shift_left3A_151 = arith.shli %add3A_147, %shift_left3A_150 : vector<128x64xi32>
    %shift_right_logical3A_152 = arith.constant 19 : i32
    %shift_right_logical3A_153 = vector.broadcast %shift_right_logical3A_152 : i32 to vector<128x64xi32>
    %shift_right_logical3A_154 = arith.shrui %add3A_147, %shift_right_logical3A_153 : vector<128x64xi32>
    %or3A_155 = arith.ori %shift_left3A_151, %shift_right_logical3A_154 : vector<128x64xi32>
    %xor3A_156 = arith.xori %add3A_148, %or3A_155 : vector<128x64xi32>
    %add3A_157 = arith.addi %add3A_148, %xor3A_156 : vector<128x64xi32>
    %shift_left3A_158 = arith.constant 15 : i32
    %shift_left3A_159 = vector.broadcast %shift_left3A_158 : i32 to vector<128x64xi32>
    %shift_left3A_160 = arith.shli %xor3A_156, %shift_left3A_159 : vector<128x64xi32>
    %shift_right_logical3A_161 = arith.constant 17 : i32
    %shift_right_logical3A_162 = vector.broadcast %shift_right_logical3A_161 : i32 to vector<128x64xi32>
    %shift_right_logical3A_163 = arith.shrui %xor3A_156, %shift_right_logical3A_162 : vector<128x64xi32>
    %or3A_164 = arith.ori %shift_left3A_160, %shift_right_logical3A_163 : vector<128x64xi32>
    %xor3A_165 = arith.xori %add3A_157, %or3A_164 : vector<128x64xi32>
    %add3A_166 = arith.addi %add3A_157, %xor3A_165 : vector<128x64xi32>
    %shift_left3A_167 = arith.constant 26 : i32
    %shift_left3A_168 = vector.broadcast %shift_left3A_167 : i32 to vector<128x64xi32>
    %shift_left3A_169 = arith.shli %xor3A_165, %shift_left3A_168 : vector<128x64xi32>
    %shift_right_logical3A_170 = arith.constant 6 : i32
    %shift_right_logical3A_171 = vector.broadcast %shift_right_logical3A_170 : i32 to vector<128x64xi32>
    %shift_right_logical3A_172 = arith.shrui %xor3A_165, %shift_right_logical3A_171 : vector<128x64xi32>
    %or3A_173 = arith.ori %shift_left3A_169, %shift_right_logical3A_172 : vector<128x64xi32>
    %xor3A_174 = arith.xori %add3A_166, %or3A_173 : vector<128x64xi32>
    %add3A_175 = arith.addi %add3A_166, %xor3A_174 : vector<128x64xi32>
    %shift_left3A_176 = arith.constant 6 : i32
    %shift_left3A_177 = vector.broadcast %shift_left3A_176 : i32 to vector<128x64xi32>
    %shift_left3A_178 = arith.shli %xor3A_174, %shift_left3A_177 : vector<128x64xi32>
    %shift_right_logical3A_179 = arith.constant 26 : i32
    %shift_right_logical3A_180 = vector.broadcast %shift_right_logical3A_179 : i32 to vector<128x64xi32>
    %shift_right_logical3A_181 = arith.shrui %xor3A_174, %shift_right_logical3A_180 : vector<128x64xi32>
    %or3A_182 = arith.ori %shift_left3A_178, %shift_right_logical3A_181 : vector<128x64xi32>
    %xor3A_183 = arith.xori %add3A_175, %or3A_182 : vector<128x64xi32>
    %add3A_184 = arith.constant 0 : i32
    %add3A_185 = vector.broadcast %add3A_184 : i32 to vector<128x64xi32>
    %add3A_186 = arith.addi %add3A_175, %add3A_185 : vector<128x64xi32>
    %add3A_187 = arith.constant 42 : i32
    %add3A_188 = vector.broadcast %add3A_187 : i32 to vector<128x64xi32>
    %add3A_189 = arith.addi %xor3A_183, %add3A_188 : vector<128x64xi32>
    %add3A_190 = arith.constant 3 : i32
    %add3A_191 = vector.broadcast %add3A_190 : i32 to vector<128x64xi32>
    %add3A_192 = arith.addi %add3A_189, %add3A_191 : vector<128x64xi32>
    %add3A_193 = arith.addi %add3A_186, %add3A_192 : vector<128x64xi32>
    %shift_left3A_194 = arith.constant 17 : i32
    %shift_left3A_195 = vector.broadcast %shift_left3A_194 : i32 to vector<128x64xi32>
    %shift_left3A_196 = arith.shli %add3A_192, %shift_left3A_195 : vector<128x64xi32>
    %shift_right_logical3A_197 = arith.constant 15 : i32
    %shift_right_logical3A_198 = vector.broadcast %shift_right_logical3A_197 : i32 to vector<128x64xi32>
    %shift_right_logical3A_199 = arith.shrui %add3A_192, %shift_right_logical3A_198 : vector<128x64xi32>
    %or3A_200 = arith.ori %shift_left3A_196, %shift_right_logical3A_199 : vector<128x64xi32>
    %xor3A_201 = arith.xori %add3A_193, %or3A_200 : vector<128x64xi32>
    %add3A_202 = arith.addi %add3A_193, %xor3A_201 : vector<128x64xi32>
    %shift_left3A_203 = arith.constant 29 : i32
    %shift_left3A_204 = vector.broadcast %shift_left3A_203 : i32 to vector<128x64xi32>
    %shift_left3A_205 = arith.shli %xor3A_201, %shift_left3A_204 : vector<128x64xi32>
    %shift_right_logical3A_206 = arith.constant 3 : i32
    %shift_right_logical3A_207 = vector.broadcast %shift_right_logical3A_206 : i32 to vector<128x64xi32>
    %shift_right_logical3A_208 = arith.shrui %xor3A_201, %shift_right_logical3A_207 : vector<128x64xi32>
    %or3A_209 = arith.ori %shift_left3A_205, %shift_right_logical3A_208 : vector<128x64xi32>
    %xor3A_210 = arith.xori %add3A_202, %or3A_209 : vector<128x64xi32>
    %add3A_211 = arith.addi %add3A_202, %xor3A_210 : vector<128x64xi32>
    %shift_left3A_212 = arith.constant 16 : i32
    %shift_left3A_213 = vector.broadcast %shift_left3A_212 : i32 to vector<128x64xi32>
    %shift_left3A_214 = arith.shli %xor3A_210, %shift_left3A_213 : vector<128x64xi32>
    %shift_right_logical3A_215 = arith.constant 16 : i32
    %shift_right_logical3A_216 = vector.broadcast %shift_right_logical3A_215 : i32 to vector<128x64xi32>
    %shift_right_logical3A_217 = arith.shrui %xor3A_210, %shift_right_logical3A_216 : vector<128x64xi32>
    %or3A_218 = arith.ori %shift_left3A_214, %shift_right_logical3A_217 : vector<128x64xi32>
    %xor3A_219 = arith.xori %add3A_211, %or3A_218 : vector<128x64xi32>
    %add3A_220 = arith.addi %add3A_211, %xor3A_219 : vector<128x64xi32>
    %shift_left3A_221 = arith.constant 24 : i32
    %shift_left3A_222 = vector.broadcast %shift_left3A_221 : i32 to vector<128x64xi32>
    %shift_left3A_223 = arith.shli %xor3A_219, %shift_left3A_222 : vector<128x64xi32>
    %shift_right_logical3A_224 = arith.constant 8 : i32
    %shift_right_logical3A_225 = vector.broadcast %shift_right_logical3A_224 : i32 to vector<128x64xi32>
    %shift_right_logical3A_226 = arith.shrui %xor3A_219, %shift_right_logical3A_225 : vector<128x64xi32>
    %or3A_227 = arith.ori %shift_left3A_223, %shift_right_logical3A_226 : vector<128x64xi32>
    %xor3A_228 = arith.xori %add3A_220, %or3A_227 : vector<128x64xi32>
    %add3A_229 = arith.constant 42 : i32
    %add3A_230 = vector.broadcast %add3A_229 : i32 to vector<128x64xi32>
    %add3A_231 = arith.addi %add3A_220, %add3A_230 : vector<128x64xi32>
    %add3A_232 = vector.broadcast %xor3A_54 : i32 to vector<128x64xi32>
    %add3A_233 = arith.addi %xor3A_228, %add3A_232 : vector<128x64xi32>
    %add3A_234 = arith.constant 4 : i32
    %add3A_235 = vector.broadcast %add3A_234 : i32 to vector<128x64xi32>
    %add3A_236 = arith.addi %add3A_233, %add3A_235 : vector<128x64xi32>
    %add3A_237 = arith.addi %add3A_231, %add3A_236 : vector<128x64xi32>
    %shift_left3A_238 = arith.constant 13 : i32
    %shift_left3A_239 = vector.broadcast %shift_left3A_238 : i32 to vector<128x64xi32>
    %shift_left3A_240 = arith.shli %add3A_236, %shift_left3A_239 : vector<128x64xi32>
    %shift_right_logical3A_241 = arith.constant 19 : i32
    %shift_right_logical3A_242 = vector.broadcast %shift_right_logical3A_241 : i32 to vector<128x64xi32>
    %shift_right_logical3A_243 = arith.shrui %add3A_236, %shift_right_logical3A_242 : vector<128x64xi32>
    %or3A_244 = arith.ori %shift_left3A_240, %shift_right_logical3A_243 : vector<128x64xi32>
    %xor3A_245 = arith.xori %add3A_237, %or3A_244 : vector<128x64xi32>
    %add3A_246 = arith.addi %add3A_237, %xor3A_245 : vector<128x64xi32>
    %shift_left3A_247 = arith.constant 15 : i32
    %shift_left3A_248 = vector.broadcast %shift_left3A_247 : i32 to vector<128x64xi32>
    %shift_left3A_249 = arith.shli %xor3A_245, %shift_left3A_248 : vector<128x64xi32>
    %shift_right_logical3A_250 = arith.constant 17 : i32
    %shift_right_logical3A_251 = vector.broadcast %shift_right_logical3A_250 : i32 to vector<128x64xi32>
    %shift_right_logical3A_252 = arith.shrui %xor3A_245, %shift_right_logical3A_251 : vector<128x64xi32>
    %or3A_253 = arith.ori %shift_left3A_249, %shift_right_logical3A_252 : vector<128x64xi32>
    %xor3A_254 = arith.xori %add3A_246, %or3A_253 : vector<128x64xi32>
    %add3A_255 = arith.addi %add3A_246, %xor3A_254 : vector<128x64xi32>
    %shift_left3A_256 = arith.constant 26 : i32
    %shift_left3A_257 = vector.broadcast %shift_left3A_256 : i32 to vector<128x64xi32>
    %shift_left3A_258 = arith.shli %xor3A_254, %shift_left3A_257 : vector<128x64xi32>
    %shift_right_logical3A_259 = arith.constant 6 : i32
    %shift_right_logical3A_260 = vector.broadcast %shift_right_logical3A_259 : i32 to vector<128x64xi32>
    %shift_right_logical3A_261 = arith.shrui %xor3A_254, %shift_right_logical3A_260 : vector<128x64xi32>
    %or3A_262 = arith.ori %shift_left3A_258, %shift_right_logical3A_261 : vector<128x64xi32>
    %xor3A_263 = arith.xori %add3A_255, %or3A_262 : vector<128x64xi32>
    %add3A_264 = arith.addi %add3A_255, %xor3A_263 : vector<128x64xi32>
    %shift_left3A_265 = arith.constant 6 : i32
    %shift_left3A_266 = vector.broadcast %shift_left3A_265 : i32 to vector<128x64xi32>
    %shift_left3A_267 = arith.shli %xor3A_263, %shift_left3A_266 : vector<128x64xi32>
    %shift_right_logical3A_268 = arith.constant 26 : i32
    %shift_right_logical3A_269 = vector.broadcast %shift_right_logical3A_268 : i32 to vector<128x64xi32>
    %shift_right_logical3A_270 = arith.shrui %xor3A_263, %shift_right_logical3A_269 : vector<128x64xi32>
    %or3A_271 = arith.ori %shift_left3A_267, %shift_right_logical3A_270 : vector<128x64xi32>
    %xor3A_272 = arith.xori %add3A_264, %or3A_271 : vector<128x64xi32>
    %add3A_273 = vector.broadcast %xor3A_54 : i32 to vector<128x64xi32>
    %add3A_274 = arith.addi %add3A_264, %add3A_273 : vector<128x64xi32>
    %add3A_275 = arith.constant 0 : i32
    %add3A_276 = vector.broadcast %add3A_275 : i32 to vector<128x64xi32>
    %add3A_277 = arith.addi %xor3A_272, %add3A_276 : vector<128x64xi32>
    %add3A_278 = arith.constant 5 : i32
    %add3A_279 = vector.broadcast %add3A_278 : i32 to vector<128x64xi32>
    %add3A_280 = arith.addi %add3A_277, %add3A_279 : vector<128x64xi32>
    %xor3A_281 = arith.xori %add3A_274, %add3A_280 : vector<128x64xi32>
    %shift_right_logical3A_282 = arith.constant 9 : i32
    %shift_right_logical3A_283 = vector.broadcast %shift_right_logical3A_282 : i32 to vector<128x64xi32>
    %shift_right_logical3A_284 = arith.shrui %xor3A_281, %shift_right_logical3A_283 : vector<128x64xi32>
    %or3A_285 = arith.constant 1065353216 : i32
    %or3A_286 = vector.broadcast %or3A_285 : i32 to vector<128x64xi32>
    %or3A_287 = arith.ori %shift_right_logical3A_284, %or3A_286 : vector<128x64xi32>
    %bitcast_convert_type3A = tpu.bitcast %or3A_287 : vector<128x64xi32> -> vector<128x64xf32>
    %sub3A_288 = arith.constant 1.000000e+00 : f32
    %sub3A_289 = vector.broadcast %sub3A_288 : f32 to vector<128x64xf32>
    %sub3A_290 = arith.subf %bitcast_convert_type3A, %sub3A_289 : vector<128x64xf32>
    %sub3A_291 = arith.constant 1.000000e+00 : f32
    %sub3A_292 = arith.constant 1.17549435E-38 : f32
    %sub3A_293 = arith.subf %sub3A_291, %sub3A_292 : f32
    %mul3A_294 = vector.broadcast %sub3A_293 : f32 to vector<128x64xf32>
    %mul3A_295 = arith.mulf %sub3A_290, %mul3A_294 : vector<128x64xf32>
    %add3A_296 = arith.constant 1.17549435E-38 : f32
    %add3A_297 = vector.broadcast %add3A_296 : f32 to vector<128x64xf32>
    %add3A_298 = arith.addf %mul3A_295, %add3A_297 : vector<128x64xf32>
    %max3A = arith.constant 1.17549435E-38 : f32
    %max3A_299 = vector.broadcast %max3A : f32 to vector<128x64xf32>
    %max3A_300 = arith.maximumf %max3A_299, %add3A_298 : vector<128x64xf32>
    %log3A = math.log %max3A_300 : vector<128x64xf32>
    %neg3A = arith.constant 0.000000e+00 : f32
    %neg3A_301 = vector.broadcast %neg3A : f32 to vector<128x64xf32>
    %neg3A_302 = arith.subf %neg3A_301, %log3A : vector<128x64xf32>
    %log3A_303 = math.log %neg3A_302 : vector<128x64xf32>
    %neg3A_304 = arith.constant 0.000000e+00 : f32
    %neg3A_305 = vector.broadcast %neg3A_304 : f32 to vector<128x64xf32>
    %neg3A_306 = arith.subf %neg3A_305, %log3A_303 : vector<128x64xf32>
    %get3A_307 = arith.constant 0 : index
    %get3A_308 = arith.constant 0 : index
    %get3A_309 = vector.load %arg4[%get3A_307, %get3A_308] : memref<128x1xf32, #tpu.memory_space<vmem>>, vector<128x1xf32>
    %div3A = vector.broadcast %get3A_309 : vector<128x1xf32> to vector<128x64xf32>
    %div3A_310 = arith.divf %get3A_42, %div3A : vector<128x64xf32>
    %get3A_311 = arith.constant 0 : index
    %get3A_312 = arith.constant 0 : index
    %get3A_313 = vector.load %arg6[%get3A_311, %get3A_312] : memref<128x1xi32, #tpu.memory_space<vmem>>, vector<128x1xi32>
    %sub3A_314 = arith.constant 1 : i32
    %sub3A_315 = vector.broadcast %sub3A_314 : i32 to vector<128x1xi32>
    %sub3A_316 = arith.subi %get3A_313, %sub3A_315 : vector<128x1xi32>
    %eq3A = vector.broadcast %sub3A_316 : vector<128x1xi32> to vector<128x64xi32>
    %eq3A_317 = arith.cmpi eq, %iota3A_2, %eq3A : vector<128x64xi32>
    %jit3A_318 = arith.constant 0xFF800000 : f32
    %broadcast_in_dim3A_319 = vector.broadcast %jit3A_318 : f32 to vector<128x64xf32>
    %select_n3A_320 = arith.select %eq3A_317, %div3A_310, %broadcast_in_dim3A_319 : vector<128x64xi1>, vector<128x64xf32>
    %reduce_max3A = arith.constant dense<0xFF800000> : vector<128xf32>
    %reduce_max3A_321 = vector.multi_reduction <maximumf>, %select_n3A_320, %reduce_max3A [1] : vector<128x64xf32> to vector<128xf32>
    %broadcast_in_dim3A_322 = vector.shape_cast %reduce_max3A_321 : vector<128xf32> to vector<128x1xf32>
    %lt3A_323 = vector.broadcast %broadcast_in_dim3A_322 : vector<128x1xf32> to vector<128x64xf32>
    %lt3A_324 = arith.cmpf olt, %div3A_310, %lt3A_323 : vector<128x64xf32>
    %not3A = arith.constant dense<true> : vector<128x64xi1>
    %not3A_325 = arith.xori %lt3A_324, %not3A : vector<128x64xi1>
    %jit3A_326 = arith.constant 0xFF800000 : f32
    %broadcast_in_dim3A_327 = vector.broadcast %jit3A_326 : f32 to vector<128x64xf32>
    %select_n3A_328 = arith.select %not3A_325, %div3A_310, %broadcast_in_dim3A_327 : vector<128x64xi1>, vector<128x64xf32>
    %slice3A = vector.extract_strided_slice %div3A_310 {offsets = [0, 0], sizes = [128, 1], strides = [1, 1]} : vector<128x64xf32> to vector<128x1xf32>
    %sub3A_329 = vector.broadcast %slice3A : vector<128x1xf32> to vector<128x64xf32>
    %sub3A_330 = arith.subf %select_n3A_328, %sub3A_329 : vector<128x64xf32>
    %exp3A = math.exp %sub3A_330 : vector<128x64xf32>
    %reduce_sum3A = arith.constant dense<0.000000e+00> : vector<128xf32>
    %reduce_sum3A_331 = vector.multi_reduction <add>, %exp3A, %reduce_sum3A [1] : vector<128x64xf32> to vector<128xf32>
    %broadcast_in_dim3A_332 = vector.shape_cast %reduce_sum3A_331 : vector<128xf32> to vector<128x1xf32>
    %div3A_333 = vector.broadcast %broadcast_in_dim3A_332 : vector<128x1xf32> to vector<128x64xf32>
    %div3A_334 = arith.divf %exp3A, %div3A_333 : vector<128x64xf32>
    %broadcast_in_dim3A_335 = arith.constant 0.000000e+00 : f32
    %broadcast_in_dim3A_336 = vector.broadcast %broadcast_in_dim3A_335 : f32 to vector<128x1xf32>
    %slice3A_337 = vector.extract_strided_slice %div3A_334 {offsets = [0, 1], sizes = [128, 63], strides = [1, 1]} : vector<128x64xf32> to vector<128x63xf32>
    %concatenate3A = tpu.concatenate %slice3A_337, %broadcast_in_dim3A_336 in 1 : vector<128x63xf32>, vector<128x1xf32> -> vector<128x64xf32>
    %add3A_338 = arith.addf %div3A_334, %concatenate3A : vector<128x64xf32>
    %broadcast_in_dim3A_339 = arith.constant 0.000000e+00 : f32
    %broadcast_in_dim3A_340 = vector.broadcast %broadcast_in_dim3A_339 : f32 to vector<128x2xf32>
    %slice3A_341 = vector.extract_strided_slice %add3A_338 {offsets = [0, 2], sizes = [128, 62], strides = [1, 1]} : vector<128x64xf32> to vector<128x62xf32>
    %concatenate3A_342 = tpu.concatenate %slice3A_341, %broadcast_in_dim3A_340 in 1 : vector<128x62xf32>, vector<128x2xf32> -> vector<128x64xf32>
    %add3A_343 = arith.addf %add3A_338, %concatenate3A_342 : vector<128x64xf32>
    %broadcast_in_dim3A_344 = arith.constant 0.000000e+00 : f32
    %broadcast_in_dim3A_345 = vector.broadcast %broadcast_in_dim3A_344 : f32 to vector<128x4xf32>
    %slice3A_346 = vector.extract_strided_slice %add3A_343 {offsets = [0, 4], sizes = [128, 60], strides = [1, 1]} : vector<128x64xf32> to vector<128x60xf32>
    %concatenate3A_347 = tpu.concatenate %slice3A_346, %broadcast_in_dim3A_345 in 1 : vector<128x60xf32>, vector<128x4xf32> -> vector<128x64xf32>
    %add3A_348 = arith.addf %add3A_343, %concatenate3A_347 : vector<128x64xf32>
    %broadcast_in_dim3A_349 = arith.constant 0.000000e+00 : f32
    %broadcast_in_dim3A_350 = vector.broadcast %broadcast_in_dim3A_349 : f32 to vector<128x8xf32>
    %slice3A_351 = vector.extract_strided_slice %add3A_348 {offsets = [0, 8], sizes = [128, 56], strides = [1, 1]} : vector<128x64xf32> to vector<128x56xf32>
    %concatenate3A_352 = tpu.concatenate %slice3A_351, %broadcast_in_dim3A_350 in 1 : vector<128x56xf32>, vector<128x8xf32> -> vector<128x64xf32>
    %add3A_353 = arith.addf %add3A_348, %concatenate3A_352 : vector<128x64xf32>
    %broadcast_in_dim3A_354 = arith.constant 0.000000e+00 : f32
    %broadcast_in_dim3A_355 = vector.broadcast %broadcast_in_dim3A_354 : f32 to vector<128x16xf32>
    %slice3A_356 = vector.extract_strided_slice %add3A_353 {offsets = [0, 16], sizes = [128, 48], strides = [1, 1]} : vector<128x64xf32> to vector<128x48xf32>
    %concatenate3A_357 = tpu.concatenate %slice3A_356, %broadcast_in_dim3A_355 in 1 : vector<128x48xf32>, vector<128x16xf32> -> vector<128x64xf32>
    %add3A_358 = arith.addf %add3A_353, %concatenate3A_357 : vector<128x64xf32>
    %broadcast_in_dim3A_359 = arith.constant 0.000000e+00 : f32
    %broadcast_in_dim3A_360 = vector.broadcast %broadcast_in_dim3A_359 : f32 to vector<128x32xf32>
    %slice3A_361 = vector.extract_strided_slice %add3A_358 {offsets = [0, 32], sizes = [128, 32], strides = [1, 1]} : vector<128x64xf32> to vector<128x32xf32>
    %concatenate3A_362 = tpu.concatenate %slice3A_361, %broadcast_in_dim3A_360 in 1 : vector<128x32xf32>, vector<128x32xf32> -> vector<128x64xf32>
    %add3A_363 = arith.addf %add3A_358, %concatenate3A_362 : vector<128x64xf32>
    %get3A_364 = arith.constant 0 : index
    %get3A_365 = arith.constant 0 : index
    %get3A_366 = vector.load %arg5[%get3A_364, %get3A_365] : memref<128x1xf32, #tpu.memory_space<vmem>>, vector<128x1xf32>
    %sub3A_367 = arith.constant 1.000000e+00 : f32
    %sub3A_368 = vector.broadcast %sub3A_367 : f32 to vector<128x1xf32>
    %sub3A_369 = arith.subf %sub3A_368, %get3A_366 : vector<128x1xf32>
    %gt3A = vector.broadcast %sub3A_369 : vector<128x1xf32> to vector<128x64xf32>
    %gt3A_370 = arith.cmpf ogt, %add3A_363, %gt3A : vector<128x64xf32>
    %eq3A_371 = arith.constant 0 : i32
    %eq3A_372 = vector.broadcast %eq3A_371 : i32 to vector<128x64xi32>
    %eq3A_373 = arith.cmpi eq, %iota3A_2, %eq3A_372 : vector<128x64xi32>
    %or3A_374 = arith.ori %gt3A_370, %eq3A_373 : vector<128x64xi1>
    %and3A = arith.andi %not3A_325, %or3A_374 : vector<128x64xi1>
    %jit3A_375 = arith.constant 0xFF800000 : f32
    %broadcast_in_dim3A_376 = vector.broadcast %jit3A_375 : f32 to vector<128x64xf32>
    %select_n3A_377 = arith.select %and3A, %select_n3A_328, %broadcast_in_dim3A_376 : vector<128x64xi1>, vector<128x64xf32>
    %add3A_378 = arith.addf %select_n3A_377, %neg3A_306 : vector<128x64xf32>
    %reduce_max3A_379 = arith.constant dense<0xFF800000> : vector<128xf32>
    %reduce_max3A_380 = vector.multi_reduction <maximumf>, %add3A_378, %reduce_max3A_379 [1] : vector<128x64xf32> to vector<128xf32>
    %broadcast_in_dim3A_381 = vector.shape_cast %reduce_max3A_380 : vector<128xf32> to vector<128x1xf32>
    %eq3A_382 = vector.broadcast %broadcast_in_dim3A_381 : vector<128x1xf32> to vector<128x64xf32>
    %eq3A_383 = arith.cmpf oeq, %add3A_378, %eq3A_382 : vector<128x64xf32>
    %jit3A_384 = arith.constant 1073741824 : i32
    %broadcast_in_dim3A_385 = vector.broadcast %jit3A_384 : i32 to vector<128x64xi32>
    %select_n3A_386 = arith.select %eq3A_383, %get3A_45, %broadcast_in_dim3A_385 : vector<128x64xi1>, vector<128x64xi32>
    %reduce_min3A = arith.constant dense<2147483647> : vector<128xi32>
    %reduce_min3A_387 = vector.multi_reduction <minsi>, %select_n3A_386, %reduce_min3A [1] : vector<128x64xi32> to vector<128xi32>
    %broadcast_in_dim3A_388 = vector.shape_cast %reduce_min3A_387 : vector<128xi32> to vector<128x1xi32>
    %slice3A_389 = vector.extract_strided_slice %get3A_45 {offsets = [0, 0], sizes = [128, 1], strides = [1, 1]} : vector<128x64xi32> to vector<128x1xi32>
    %lt3A_390 = arith.constant 9.99999974E-6 : f32
    %lt3A_391 = vector.broadcast %lt3A_390 : f32 to vector<128x1xf32>
    %lt3A_392 = arith.cmpf olt, %get3A_309, %lt3A_391 : vector<128x1xf32>
    %select_n3A_393 = arith.select %lt3A_392, %slice3A_389, %broadcast_in_dim3A_388 : vector<128x1xi1>, vector<128x1xi32>
    %eq3A_394 = vector.broadcast %select_n3A_393 : vector<128x1xi32> to vector<128x64xi32>
    %eq3A_395 = arith.cmpi eq, %get3A_45, %eq3A_394 : vector<128x64xi32>
    %jit3A_396 = arith.constant 0xFF800000 : f32
    %broadcast_in_dim3A_397 = vector.broadcast %jit3A_396 : f32 to vector<128x64xf32>
    %select_n3A_398 = arith.select %eq3A_395, %get3A_42, %broadcast_in_dim3A_397 : vector<128x64xi1>, vector<128x64xf32>
    %reduce_max3A_399 = arith.constant dense<0xFF800000> : vector<128xf32>
    %reduce_max3A_400 = vector.multi_reduction <maximumf>, %select_n3A_398, %reduce_max3A_399 [1] : vector<128x64xf32> to vector<128xf32>
    %broadcast_in_dim3A_401 = vector.shape_cast %reduce_max3A_400 : vector<128xf32> to vector<128x1xf32>
    %get3A_402 = arith.constant 0 : index
    %get3A_403 = arith.constant 0 : index
    %get3A_404 = vector.load %arg2[%get3A_402, %get3A_403] : memref<128x1xf32, #tpu.memory_space<vmem>>, vector<128x1xf32>
    %get3A_405 = arith.constant 0 : index
    %get3A_406 = arith.constant 0 : index
    %get3A_407 = vector.load %arg3[%get3A_405, %get3A_406] : memref<128x1xf32, #tpu.memory_space<vmem>>, vector<128x1xf32>
    %log3A_408 = math.log %get3A_407 : vector<128x1xf32>
    %add3A_409 = arith.addf %get3A_404, %log3A_408 : vector<128x1xf32>
    %swap3A_410 = arith.constant 0 : index
    %swap3A_411 = arith.constant 0 : index
    %swap3A_412 = vector.load %arg7[%swap3A_410, %swap3A_411] : memref<128x1xi32, #tpu.memory_space<vmem>>, vector<128x1xi32>
    tpu.vector_store %arg7[%swap3A_410, %swap3A_411], %select_n3A_393 {strides = array<i32>} : memref<128x1xi32, #tpu.memory_space<vmem>>, vector<128x1xi32>,
    %sub3A_413 = arith.subf %broadcast_in_dim3A_401, %add3A_409 : vector<128x1xf32>
    %swap3A_414 = arith.constant 0 : index
    %swap3A_415 = arith.constant 0 : index
    %swap3A_416 = vector.load %arg10[%swap3A_414, %swap3A_415] : memref<128x1xf32, #tpu.memory_space<vmem>>, vector<128x1xf32>
    tpu.vector_store %arg10[%swap3A_414, %swap3A_415], %sub3A_413 {strides = array<i32>} : memref<128x1xf32, #tpu.memory_space<vmem>>, vector<128x1xf32>,
    %slice3A_417 = vector.extract_strided_slice %get3A_42 {offsets = [0, 0], sizes = [128, 20], strides = [1, 1]} : vector<128x64xf32> to vector<128x20xf32>
    %sub3A_418 = vector.broadcast %add3A_409 : vector<128x1xf32> to vector<128x20xf32>
    %sub3A_419 = arith.subf %slice3A_417, %sub3A_418 : vector<128x20xf32>
    %swap3A_420 = arith.constant 0 : index
    %swap3A_421 = arith.constant 0 : index
    %swap3A_422 = vector.load %arg8[%swap3A_420, %swap3A_421] : memref<128x20xf32, #tpu.memory_space<vmem>>, vector<128x20xf32>
    tpu.vector_store %arg8[%swap3A_420, %swap3A_421], %sub3A_419 {strides = array<i32>} : memref<128x20xf32, #tpu.memory_space<vmem>>, vector<128x20xf32>,
    %slice3A_423 = vector.extract_strided_slice %get3A_45 {offsets = [0, 0], sizes = [128, 20], strides = [1, 1]} : vector<128x64xi32> to vector<128x20xi32>
    %swap3A_424 = arith.constant 0 : index
    %swap3A_425 = arith.constant 0 : index
    %swap3A_426 = vector.load %arg9[%swap3A_424, %swap3A_425] : memref<128x20xi32, #tpu.memory_space<vmem>>, vector<128x20xi32>
    tpu.vector_store %arg9[%swap3A_424, %swap3A_425], %slice3A_423 {strides = array<i32>} : memref<128x20xi32, #tpu.memory_space<vmem>>, vector<128x20xi32>,
    return
  }
}

</mosaic_0001>

<sc_bundles>
// kernel: kernel.6.cloned.1.call-start
scs
__scs_entry_jumppad:
0x0: {  	(pc) =	sbr.rel $0x88, $3  }
0x1: {  	(tag) =	ssettag $0x0;
	lr =	simm.s32 $0x1  }
0x2: {  	[smem:$0x3F9D] =	sst lr;
	_ =	strace $0xD0000000  }
0x3: {  	_ = 	snop  }
0x4: {  	_ = 	snop  }
0x5: {  	_ = 	snop  }
0x6: {  	_ = 	snop  }
0x7: {  	_ = 	snop  }
__scs_overlays_trampoline_lowered:
0x8: {  	[smem:$0x3FAC] =	sst s0  }
0x9: {  	[smem:$0x3FAD] =	sst s1  }
0xa: {  	[smem:$0x3FAE] =	sst s2  }
0xb: {  	[smem:$0x3FAF] =	sst s3  }
0xc: {  	[smem:$0x3FB0] =	sst s4  }
0xd: {  	[smem:$0x3FB1] =	sst s5  }
0xe: {  	[smem:$0x3FB2] =	sst s6  }
0xf: {  	[smem:$0x3FB3] =	sst s7  }
0x10: {  	[smem:$0x3FB4] =	sst s8  }
0x11: {  	[smem:$0x3FB5] =	sst s9;
	s0 =	simm.s32 @!p0 $0x0  }
0x12: {  	s1 =	sld [smem:$0x3F9B];
	s0 =	simm.s32 @p0 $0x1  }
0x13: {  	[smem:$0x3FB6] =	sst s0;
	s0 =	simm.s32 @!p1 $0x0  }
0x14: {  	s2 =	sld [smem:$0x3F9A];
	s0 =	simm.s32 @p1 $0x1  }
0x15: {  	[smem:$0x3FB7] =	sst s0;
	s0 =	simm.s32 @!p2 $0x0  }
0x16: {  	s3 =	sld [smem:$0x3FDB];
	s0 =	simm.s32 @p2 $0x1  }
0x17: {  	s4 =	simm.s32 $0x1BF5;
	[smem:$0x3FB9] =	sst s0  }
0x18: {  	s0 =	sld [smem:$0x3F9C];
	_ =	swait.ge [sflag:s4], $0x0  }
0x19: {  	s7 =	sld [smem:$0x3F9D]  }
0x1a: {  	s8 =	sadd.s32 $0xFFFFE003, lr  }
0x1b: {  	s9 =	sadd.s32 $0xFFFFFEF7, lr;
	s5 =	simm.s32 $0xFFFFFFFF;
	p2 =	slt.u32 s8, $0xFFFFF086  }
0x1c: {  	p1 =	slt.u32 s9, $0xF7A;
	s5 =	simm.s32 @!p2 $0x0  }
0x1d: {  	s5 =	simm.s32 @p1 $0x1;
	p0 =	seq.s32 s7, s2  }
0x1e: {  	s7 =	smul.u32 @!p0 $0xF7A, s2;
	p2 =	seq.s32 @!p0 s5, $0x0  }
0x1f: {  	s9 =	smul.u32 $0xF7A, s1;
	s8 =	simm.s32 @!p0 $0x1BF5;
	p2 =	por !p2, p0  }
0x20: {  	[sflag:s8] =	ssyncset.s32 @!p0 $0xFFFFF086;
	s6 =	sadd.s32 @!p0 s3, s7;
	s7 =	simm.s32 @!p0 $0x108  }
0x21: {  	s3 =	sadd.s32 s3, s9;
	s6 =	sadd.s32 @!p0 $0x88, s6;
	s7 =	simm.s32 @p2 $0x1082  }
0x22: {  	[simem:s7], [sflag:s8] =	dma.local @!p0 [hbm:s6], $0xF7A  }
0x23: {  	s9 =	sor.u32 $0xD0000000, s2;
	s6 =	simm.s32 $0x108;
	_ =	swait.ge @!p0 [sflag:s8], $0x0  }
0x24: {  	s3 =	sadd.s32 $0x88, s3;
	s6 =	simm.s32 @!p1 $0x1082;
	[sflag:s4] =	ssyncset.s32 $0xFFFFF086  }
0x25: {  	[simem:s6], [sflag:s4] =	dma.local [hbm:s3], $0xF7A  }
0x26: {  	[smem:$0x3F9D] =	sst s1;
	(tag) =	ssettag s2;
	_ =	strace s9  }
0x27: {  	s1 =	sld [smem:$0x3FAD]  }
0x28: {  	s2 =	sld [smem:$0x3FAE]  }
0x29: {  	s4 =	sld [smem:$0x3FB0]  }
0x2a: {  	p0 =	seq.s32 s5, $0x0;
	s5 =	sld [smem:$0x3FB1]  }
0x2b: {  	s6 =	sld [smem:$0x3FB2]  }
0x2c: {  	s7 =	sld [smem:$0x3FB3]  }
0x2d: {  	s3 =	simm.s32 $0x108;
	s8 =	sld [smem:$0x3FB4]  }
0x2e: {  	s3 =	simm.s32 @!p0 $0x1082;
	s9 =	sld [smem:$0x3FB5]  }
0x2f: {  	lr =	sadd.s32 s0, s3;
	s0 =	sld [smem:$0x3FAC]  }
0x30: {  	s3 =	sld [smem:$0x3FAF]  }
0x31: {  	[smem:$0x3FB8] =	sst s10  }
0x32: {  	s10 =	sld [smem:$0x3FB6];
	_ =	sdelay $0x3  }
0x33: {  	p0 =	seq.s32 s10, $0x1;
	s10 =	sld [smem:$0x3FB8];
	_ =	sdelay $0x3  }
0x34: {  	[smem:$0x3FB8] =	sst s10  }
0x35: {  	s10 =	sld [smem:$0x3FB7];
	_ =	sdelay $0x3  }
0x36: {  	p1 =	seq.s32 s10, $0x1;
	s10 =	sld [smem:$0x3FB8];
	_ =	sdelay $0x3  }
0x37: {  	[smem:$0x3FB8] =	sst s10  }
0x38: {  	s10 =	sld [smem:$0x3FB9]  }
0x39: {  	_ = 	snop;
	(pc) =	sbr.ind lr, $3  }
0x3a: {  	_ = 	snop  }
0x3b: {  	_ = 	snop  }
0x3c: {  	p2 =	seq.s32 s10, $0x1;
	s10 =	sld [smem:$0x3FB8]  }
0x3d: {  	_ =	shalt  }
0x3e: {  	_ =	shalt  }
0x3f: {  	_ =	shalt  }
0x40: {  	_ =	shalt  }
0x41: {  	_ =	shalt  }
0x42: {  	_ =	shalt  }
0x43: {  	_ =	shalt  }
0x44: {  	_ =	shalt  }
0x45: {  	_ =	shalt  }
0x46: {  	_ =	shalt  }
0x47: {  	_ =	shalt  }
0x48: {  	_ =	shalt  }
0x49: {  	_ =	shalt  }
0x4a: {  	_ =	shalt  }
0x4b: {  	_ =	shalt  }
0x4c: {  	_ =	shalt  }
0x4d: {  	_ =	shalt  }
0x4e: {  	_ =	shalt  }
0x4f: {  	_ =	shalt  }
0x50: {  	_ =	shalt  }
0x51: {  	_ =	shalt  }
0x52: {  	_ =	shalt  }
0x53: {  	_ =	shalt  }
0x54: {  	_ =	shalt  }
0x55: {  	_ =	shalt  }
0x56: {  	_ =	shalt  }
0x57: {  	_ =	shalt  }
0x58: {  	_ =	shalt  }
0x59: {  	_ =	shalt  }
0x5a: {  	_ =	shalt  }
0x5b: {  	_ =	shalt  }
0x5c: {  	_ =	shalt  }
0x5d: {  	_ =	shalt  }
0x5e: {  	_ =	shalt  }
0x5f: {  	_ =	shalt  }
0x60: {  	_ =	shalt  }
0x61: {  	_ =	shalt  }
0x62: {  	_ =	shalt  }
0x63: {  	_ =	shalt  }
0x64: {  	_ =	shalt  }
0x65: {  	_ =	shalt  }
0x66: {  	_ =	shalt  }
0x67: {  	_ =	shalt  }
0x68: {  	_ =	shalt  }
0x69: {  	_ =	shalt  }
0x6a: {  	_ =	shalt  }
0x6b: {  	_ =	shalt  }
0x6c: {  	_ =	shalt  }
0x6d: {  	_ =	shalt  }
0x6e: {  	_ =	shalt  }
0x6f: {  	_ =	shalt  }
0x70: {  	_ =	shalt  }
0x71: {  	_ =	shalt  }
0x72: {  	_ =	shalt  }
0x73: {  	_ =	shalt  }
0x74: {  	_ =	shalt  }
0x75: {  	_ =	shalt  }
0x76: {  	_ =	shalt  }
0x77: {  	_ =	shalt  }
0x78: {  	_ =	shalt  }
0x79: {  	_ =	shalt  }
0x7a: {  	_ =	shalt  }
0x7b: {  	_ =	shalt  }
0x7c: {  	_ =	shalt  }
0x7d: {  	_ =	shalt  }
0x7e: {  	_ =	shalt  }
0x7f: {  	_ =	shalt  }
0x80: {  	_ =	shalt  }
0x81: {  	_ =	shalt  }
0x82: {  	_ =	shalt  }
0x83: {  	_ =	shalt  }
0x84: {  	_ =	shalt  }
0x85: {  	_ =	shalt  }
0x86: {  	_ =	shalt  }
0x87: {  	_ =	shalt  }
.Lfunc_end0:
.L_simem_size_0:
called_computation.1_lowered:
.L_overlay_start_0:
0x88: {  	s2 =	sld [smem:$0x3FD9]  }
0x89: {  	s3 =	sld [smem:$0x3FFE];
	_ =	sdelay $0x1  }
0x8a: {  	s1 =	srdreg.scid  }
0x8b: {  	s0 =	sand.u32 $0x1, s1  }
0x8c: {  	s16 =	sshll.u32 s0, $0xA;
	s2 =	sadd.s32 s3, s2  }
0x8d: {  	s2 =	sadd.s32 s2, s16  }
0x8e: {  	[smem:$0x3FC4] =	sst s2  }
0x8f: {  	_ = 	snop  }
0x90: {  	(tm) =	ssettm $0x1  }
0x91: {  	s17 =	sld [smem:$0x3FFB];
	_ =	sdelay $0x3  }
0x92: {  	_ =	strace s17  }
0x93: {  	s2 =	sld [smem:$0x3FFC];
	_ =	sdelay $0x3  }
0x94: {  	_ =	strace s2  }
0x95: {  	s2 =	sld [smem:$0x3FFD];
	_ =	sdelay $0x3  }
0x96: {  	_ =	strace s2  }
0x97: {  	_ =	strace $0x8FFFFFFF  }
0x98: {  	s18 =	sld [smem:$0x3FDB];
	_ =	sdelay $0x1  }
0x99: {  	s19 =	simm.s32 $_scs_section_size  }
0x9a: {  	s4 =	simm.s32 $_size__tile_overlayer_lowered;
	s5 =	simm.s32 $_tile_overlayer_lowered  }
0x9b: {  	s22 =	simm.s32 $0x1BFF;
	s21 =	sshll.u32 s5, $0x1;
	s2 =	sadd.s32 s19, s18  }
0x9c: {  	s6 =	simm.s32 $0x0;
	s20 =	sshll.u32 s4, $0x1;
	s4 =	sadd.s32 s21, s2  }
0x9d: {  	[timem:s6], [sflag:s22] =	dma.local [hbm:s4], s20  }
0x9e: {  	_ =	swait.ge [sflag:s22], s20  }
0x9f: {  	s3 =	ssub.s32 $0x0, s20;
	[sflag:s22] =	ssyncset.done $0x0  }
0xa0: {  	[sflag:s22] =	ssyncadd.s32 s3;
	_ =	sdelay $0x1  }
0xa1: {  	s23 =	simm.s32 $0x1B8B  }
0xa2: {  	_ =	swait.ge [sflag:s23], $0x1  }
0xa3: {  	[sflag:s23] =	ssyncset.done $0x0  }
0xa4: {  	s25 =	simm.s32 $0x1B8E;
	s24 =	sld [smem:$0x3FFE];
	[sflag:s23] =	ssyncadd.s32 $0xFFFFFFFF  }
0xa5: {  	s26 =	simm.s32 $execute0_lowered;
	[smem:$0x3FD2] =	sst s25  }
0xa6: {  	s4 =	sshll.u32 s26, $0x1;
	_ =	strace $0x80000049;
	[dreg:$0x1] =	wrdreg $0xFFFFFFFF  }
0xa7: {  	s28 =	simm.s32 $_size_execute0_lowered;
	s2 =	sadd.s32 s2, s4;
	[dreg:$0x0] =	wrdreg $0x0  }
0xa8: {  	s4 =	sshll.u32 s28, $0x1;
	[dreg:$0x2] =	wrdreg s2  }
0xa9: {  	[dreg:$0x3] =	wrdreg s4  }
0xaa: {  	[dreg:$0x4] =	wrdreg $0xC0  }
0xab: {  	_ =	task [dreg:s6], $0x5FFFF  }
0xac: {  	[dreg:$0x1] =	wrdreg $0xFFFFFFFF  }
0xad: {  	[dreg:$0x0] =	wrdreg $0x60  }
0xae: {  	[dreg:$0x2] =	wrdreg s24  }
0xaf: {  	[dreg:$0x3] =	wrdreg $0x9  }
0xb0: {  	_ =	task.clear_ibuf [dreg:s6], $0x4FFFF;
	_ =	strace $0x90000049  }
0xb1: {  	s29 =	simm.s32 $0x9;
	_ =	strace $0x8000004B  }
0xb2: {  	_ =	swait.ge [sflag:s29], $0x1  }
0xb3: {  	[sflag:s29] =	ssyncadd.s32 $0xFFFFFFFF  }
0xb4: {  	_ =	strace $0x9000004B  }
0xb5: {  	_ =	sfence  }
0xb6: {  	s30 =	sld [smem:$0x0];
	_ =	sdelay $0x2  }
0xb7: {  	s31 =	sshll.u32 s1, $0xD;
	s1 =	sshrl.u32 s1, $0x2  }
0xb8: {  	s3 =	sand.u32 $0x4000, s31;
	s1 =	sadd.s32 s1, s30  }
0xb9: {  	s0 =	sor.u32 s3, s0;
	s1 =	sshll.u32 s1, $0x11  }
0xba: {  	s0 =	sor.u32 s1, s0  }
0xbb: {  	s0 =	sadd.s32 $0x8F2B, s0  }
0xbc: {  	[sflag:s0] =	ssyncadd.remote.s32 $0x1  }
0xbd: {  	_ =	sfence.sel $0xFFFF  }
0xbe: {  	[dreg:$0x0] =	wrdreg $0xFFFFFFFF;
	(pc) =	sbr.abs _section_cstart, $3  }
0xbf: {  	[dreg:$0x1] =	wrdreg $0xFFFFFFFF  }
0xc0: {  	_ =	task.clear_ibuf [dreg:s6], $0x2FFFF;
	_ =	strace $0x9FFFFFFF  }
0xc1: {  	(tm) =	ssettm $0x7FFFFFFF  }
tec
execute0_lowered:
.L_overlay_start_1:
0x0: {  	(tag) =	ssettag $0x1  }
0x1: {  	s0 =	srdreg.scid  }
0x2: {  	s15 =	rddreg [dreg:$0x0];
	s16 =	sand.u32 $0x1, s0  }
0x3: {  	s1 =	stileid.u32;
	s2 =	simm.s32 $0x0;
	s3 =	sshll.u32 s16, $0x6  }
0x4: {  	s0 =	rddreg [dreg:$0x1];
	s4 =	sshll.u32 s1, $0x7;
	s3 =	sadd.s32 s3, s15  }
0x5: {  	[smem:$0x7FF] =	sst s2;
	s3 =	sadd.s32 s4, s3  }
0x6: {  	_ =	strace $0x8000004A;
	s4 =	sadd.s32 $0x30F800, s3;
	s3 =	simm.s32 $0x2  }
0x7: {  	[tilespmem:s2], [sflag:$0x2] =	stream.linear.gather [hbm4b:s4+s2], $0x200, $0x38;
	[tilespmem:$0x7200] =	vst v63  }
0x8: {  	_ =	swait.ge [sflag:s3], $0x200  }
0x9: {  	s6 =	simm.s32 $0x38;
	[sflag:s3] =	ssyncset.done $0x0  }
0xa: {  	s7 =	simm.s32 $0x200;
	s5 =	sadd.s32 $0x1800, s15;
	[sflag:s3] =	ssyncadd.s32 $0xFFFFFE00  }
0xb: {  	[tilespmem:s7], [sflag:$0x1] =	stream.indirect.gather [hbm4b:s5+s6], $0x80, s2, s6, $0xb8;
	[tilespmem:$0x7200] =	vst v63  }
0xc: {  	s8 =	simm.s32 $0x80;
	s9 =	simm.s32 $0x1E00  }
0xd: {  	[tilespmem:s9], [sflag:$0x1] =	stream.indirect.gather [hbm4b:s5+s6], $0x80, s8, s6, $0xb8;
	[tilespmem:$0x7200] =	vst v63  }
0xe: {  	s10 =	simm.s32 $0x100;
	s11 =	simm.s32 $0x3A00  }
0xf: {  	[tilespmem:s11], [sflag:$0x1] =	stream.indirect.gather [hbm4b:s5+s6], $0x80, s10, s6, $0xb8;
	[tilespmem:$0x7200] =	vst v63  }
0x10: {  	s12 =	simm.s32 $0x180;
	s13 =	simm.s32 $0x5600;
	s14 =	simm.s32 $0x1  }
0x11: {  	[tilespmem:s13], [sflag:$0x1] =	stream.indirect.gather [hbm4b:s5+s6], $0x80, s12, s6, $0xb8;
	[tilespmem:$0x7200] =	vst v63  }
0x12: {  	_ =	swait.ge [sflag:s14], $0x1C00  }
0x13: {  	[sflag:s14] =	ssyncset.done $0x0  }
0x14: {  	[sflag:s14] =	ssyncadd.s32 $0xFFFFE400  }
0x15: {  	_ =	swait.ge [sflag:s14], $0x1C00  }
0x16: {  	[sflag:s14] =	ssyncset.done $0x0  }
0x17: {  	s18 =	sshll.u32 s16, $0x2;
	s16 =	ssub.s32 $0x2, s16;
	[sflag:s14] =	ssyncadd.s32 $0xFFFFE400  }
0x18: {  	s17 =	sshll.u32 s1, $0x3;
	s31 =	sshrl.u32 s16, $0x1;
	_ =	swait.ge [sflag:s14], $0x1C00  }
0x19: {  	s17 =	sor.u32 s18, s17;
	s16 =	ssub.s32 s16, s31;
	[sflag:s14] =	ssyncset.done $0x0  }
0x1a: {  	s17 =	smul.u32 $0x380, s17;
	s16 =	smax.u32 s16, $0x1;
	[sflag:s14] =	ssyncadd.s32 $0xFFFFE400  }
0x1b: {  	p0 =	sne.s32 s16, $0x1;
	_ =	swait.ge [sflag:s14], $0x1C00  }
.Ltmp0:
0x1c: {  	s15 =	sadd.s32 s17, s15;
	[sflag:s14] =	ssyncset.done $0x0;
	(pc) =	sbr.rel @!p0 .LBB2_2-.Ltmp0, $4  }
0x1d: {  	s15 =	sadd.s32 $0x188800, s15;
	[sflag:s14] =	ssyncadd.s32 $0xFFFFE400  }
0x1e: {  	[hbm4b:s15+s2] =	stream.linear.scatter [tilespmem:s7], [sflag:$0x2], $0x7000, $0x38;
	[tilespmem:$0x7200] =	vst v63  }
0x1f: {  	_ =	swait.ge [sflag:s3], $0x7000  }
0x20: {  	s16 =	sadd.s32 $0xFFFFFFFF, s16;
	[sflag:s3] =	ssyncset.done $0x0  }
.LBB2_1:
0x21: {  	p0 =	sne.s32 s16, $0x1;
	s16 =	sadd.s32 $0xFFFFFFFF, s16;
	[sflag:s3] =	ssyncadd.s32 $0xFFFF9000  }
0x22: {  	[tilespmem:s2], [sflag:$0x2] =	stream.linear.gather [hbm4b:s4+s2], $0x200, $0x38;
	[tilespmem:$0x7200] =	vst v63  }
0x23: {  	_ =	swait.ge [sflag:s3], $0x200  }
0x24: {  	[sflag:s3] =	ssyncset.done $0x0  }
0x25: {  	[sflag:s3] =	ssyncadd.s32 $0xFFFFFE00  }
0x26: {  	[tilespmem:s7], [sflag:$0x1] =	stream.indirect.gather [hbm4b:s5+s6], $0x80, s2, s6, $0xb8;
	[tilespmem:$0x7200] =	vst v63  }
0x27: {  	_ = 	snop  }
0x28: {  	[tilespmem:s9], [sflag:$0x1] =	stream.indirect.gather [hbm4b:s5+s6], $0x80, s8, s6, $0xb8;
	[tilespmem:$0x7200] =	vst v63  }
0x29: {  	_ = 	snop  }
0x2a: {  	[tilespmem:s11], [sflag:$0x1] =	stream.indirect.gather [hbm4b:s5+s6], $0x80, s10, s6, $0xb8;
	[tilespmem:$0x7200] =	vst v63  }
0x2b: {  	_ = 	snop  }
0x2c: {  	[tilespmem:s13], [sflag:$0x1] =	stream.indirect.gather [hbm4b:s5+s6], $0x80, s12, s6, $0xb8;
	[tilespmem:$0x7200] =	vst v63  }
0x2d: {  	_ =	swait.ge [sflag:s14], $0x1C00  }
0x2e: {  	[sflag:s14] =	ssyncset.done $0x0  }
0x2f: {  	[sflag:s14] =	ssyncadd.s32 $0xFFFFE400  }
0x30: {  	_ =	swait.ge [sflag:s14], $0x1C00  }
0x31: {  	[sflag:s14] =	ssyncset.done $0x0  }
0x32: {  	[sflag:s14] =	ssyncadd.s32 $0xFFFFE400  }
0x33: {  	_ =	swait.ge [sflag:s14], $0x1C00  }
0x34: {  	[sflag:s14] =	ssyncset.done $0x0  }
0x35: {  	[sflag:s14] =	ssyncadd.s32 $0xFFFFE400  }
0x36: {  	_ =	swait.ge [sflag:s14], $0x1C00  }
.Ltmp1:
0x37: {  	[sflag:s14] =	ssyncset.done $0x0;
	(pc) =	sbr.rel @p0 .LBB2_1-.Ltmp1, $4  }
0x38: {  	[sflag:s14] =	ssyncadd.s32 $0xFFFFE400  }
0x39: {  	[hbm4b:s15+s2] =	stream.linear.scatter [tilespmem:s7], [sflag:$0x2], $0x7000, $0x38;
	[tilespmem:$0x7200] =	vst v63  }
0x3a: {  	_ =	swait.ge [sflag:s3], $0x7000  }
0x3b: {  	[sflag:s3] =	ssyncset.done $0x0  }
.LBB2_2:
0x3c: {  	[sflag:s3] =	ssyncadd.s32 $0xFFFF9000  }
0x3d: {  	_ =	sfence.sel $0x180000  }
0x3e: {  	[bflag:$0x0] =	sbarrier.arrive $0xFFFF  }
0x3f: {  	p0 =	sne.s32 s1, $0x0;
	_ =	strace $0x9000004A  }
0x40: {  	s0 =	sadd.s32 @!p0 $0x100000, s0;
	[bflag:$0x2] =	sbarrier.arrive $0xFFFF  }
0x41: {  	[sflag:s0] =	ssyncadd.tile.s32 @!p0 $0x1;
	_ =	shalt  }
.Lfunc_end2:
_tile_overlayer_lowered:
.L_overlay_start_2:
0x42: {  	(tag) =	ssettag $0x2  }
0x43: {  	s0 =	rddreg [dreg:$0x0];
	s2 =	stileid.u32  }
0x44: {  	s1 =	rddreg [dreg:$0x1];
	p0 =	sne.s32 s2, $0x0  }
0x45: {  	s3 =	rddreg [dreg:$0x2];
	[bflag:$0x3] =	sbarrier.arrive $0xFFFF;
	s2 =	simm.s32 @!p0 $0x1C02  }
0x46: {  	[timem:s3], [sflag:s2] =	dma.local @!p0 [hbm:s0], s1  }
0x47: {  	s0 =	simm.s32 @!p0 $0x2  }
0x48: {  	_ =	swait.ge @!p0 [sflag:s0], s1  }
0x49: {  	s1 =	ssub.s32 @!p0 $0x0, s1;
	[sflag:s0] =	ssyncset.done @!p0 $0x0  }
0x4a: {  	[sflag:s0] =	ssyncadd.s32 @!p0 s1  }
0x4b: {  	[bflag:$0x3] =	sbarrier.arrive $0xFFFF  }
0x4c: {  	_ =	shalt  }

// kernel: sparse-core-data-format-call.cloned.1.call-start
scs
called_computation_lowered:
.L_overlay_start_0:
0x0: {  	s1 =	sld [smem:$0x3FD9]  }
0x1: {  	s2 =	sld [smem:$0x3FFE];
	_ =	sdelay $0x1  }
0x2: {  	s3 =	srdreg.scid  }
0x3: {  	s0 =	sand.u32 $0x1, s3  }
0x4: {  	s17 =	sshll.u32 s0, $0xA;
	s1 =	sadd.s32 s2, s1  }
0x5: {  	s1 =	sadd.s32 s1, s17  }
0x6: {  	[smem:$0x3FC4] =	sst s1  }
0x7: {  	_ = 	snop  }
0x8: {  	(tm) =	ssettm $0x1  }
0x9: {  	s18 =	sld [smem:$0x3FFB];
	_ =	sdelay $0x3  }
0xa: {  	_ =	strace s18  }
0xb: {  	s1 =	sld [smem:$0x3FFC];
	_ =	sdelay $0x3  }
0xc: {  	_ =	strace s1  }
0xd: {  	s1 =	sld [smem:$0x3FFD];
	_ =	sdelay $0x3  }
0xe: {  	_ =	strace s1  }
0xf: {  	_ =	strace $0x8FFFFFFF  }
0x10: {  	s19 =	sld [smem:$0x3FDB];
	_ =	sdelay $0x1  }
0x11: {  	s20 =	simm.s32 $_scs_section_size  }
0x12: {  	s4 =	simm.s32 $_size__tile_overlayer_lowered;
	s5 =	simm.s32 $_tile_overlayer_lowered  }
0x13: {  	s23 =	simm.s32 $0x1BFF;
	s22 =	sshll.u32 s5, $0x1;
	s1 =	sadd.s32 s20, s19  }
0x14: {  	s6 =	simm.s32 $0x0;
	s21 =	sshll.u32 s4, $0x1;
	s4 =	sadd.s32 s22, s1  }
0x15: {  	[timem:s6], [sflag:s23] =	dma.local [hbm:s4], s21  }
0x16: {  	_ =	swait.ge [sflag:s23], s21  }
0x17: {  	s2 =	ssub.s32 $0x0, s21;
	[sflag:s23] =	ssyncset.done $0x0  }
0x18: {  	[sflag:s23] =	ssyncadd.s32 s2;
	_ =	sdelay $0x1  }
0x19: {  	s24 =	simm.s32 $0x1B8B  }
0x1a: {  	_ =	swait.ge [sflag:s24], $0x1  }
0x1b: {  	[sflag:s24] =	ssyncset.done $0x0  }
0x1c: {  	s26 =	simm.s32 $0x1B8E;
	s25 =	sld [smem:$0x3FFE];
	[sflag:s24] =	ssyncadd.s32 $0xFFFFFFFF  }
0x1d: {  	s27 =	simm.s32 $execute0_lowered;
	[smem:$0x3FD2] =	sst s26  }
0x1e: {  	s4 =	sshll.u32 s27, $0x1;
	_ =	strace $0x80000046;
	[dreg:$0x1] =	wrdreg $0xFFFFFFFF  }
0x1f: {  	s28 =	simm.s32 $_size_execute0_lowered;
	s1 =	sadd.s32 s1, s4;
	[dreg:$0x0] =	wrdreg $0x0  }
0x20: {  	s4 =	sshll.u32 s28, $0x1;
	[dreg:$0x2] =	wrdreg s1  }
0x21: {  	[dreg:$0x3] =	wrdreg s4  }
0x22: {  	[dreg:$0x4] =	wrdreg $0xC0  }
0x23: {  	_ =	task [dreg:s6], $0x5FFFF  }
0x24: {  	[dreg:$0x1] =	wrdreg $0xFFFFFFFF  }
0x25: {  	[dreg:$0x0] =	wrdreg $0x60  }
0x26: {  	[dreg:$0x2] =	wrdreg s25  }
0x27: {  	[dreg:$0x3] =	wrdreg $0x9  }
0x28: {  	_ =	task.clear_ibuf [dreg:s6], $0x4FFFF;
	_ =	strace $0x90000046  }
0x29: {  	s29 =	simm.s32 $0x9;
	_ =	strace $0x80000048  }
0x2a: {  	_ =	swait.ge [sflag:s29], $0x1  }
0x2b: {  	[sflag:s29] =	ssyncadd.s32 $0xFFFFFFFF  }
0x2c: {  	_ =	strace $0x90000048  }
0x2d: {  	_ =	sfence  }
0x2e: {  	s30 =	sld [smem:$0x0];
	_ =	sdelay $0x2  }
0x2f: {  	s31 =	sshll.u32 s3, $0xD;
	s3 =	sshrl.u32 s3, $0x2  }
0x30: {  	s2 =	sand.u32 $0x4000, s31;
	s1 =	sadd.s32 s3, s30  }
0x31: {  	s0 =	sor.u32 s2, s0;
	s1 =	sshll.u32 s1, $0x11  }
0x32: {  	s0 =	sor.u32 s1, s0  }
0x33: {  	s0 =	sadd.s32 $0x8F2B, s0  }
0x34: {  	[sflag:s0] =	ssyncadd.remote.s32 $0x1  }
0x35: {  	_ =	sfence.sel $0xFFFF  }
0x36: {  	[dreg:$0x0] =	wrdreg $0xFFFFFFFF;
	(pc) =	sbr.abs _section_cstart, $3  }
0x37: {  	[dreg:$0x1] =	wrdreg $0xFFFFFFFF  }
0x38: {  	_ =	task.clear_ibuf [dreg:s6], $0x2FFFF;
	_ =	strace $0x9FFFFFFF  }
0x39: {  	(tm) =	ssettm $0x7FFFFFFF  }
tec
execute0_lowered:
.L_overlay_start_1:
0x0: {  	(tag) =	ssettag $0x1  }
0x1: {  	s0 =	srdreg.scid  }
0x2: {  	s1 =	sshll.u32 s0, $0x4  }
0x3: {  	s4 =	rddreg [dreg:$0x0];
	s0 =	stileid.u32;
	s1 =	sand.u32 $0x10, s1  }
0x4: {  	s7 =	simm.s32 $0x1;
	s8 =	simm.s32 $0x2;
	s1 =	sor.u32 s0, s1  }
0x5: {  	s11 =	simm.s32 $0x0;
	s10 =	simm.s32 $0x0;
	s2 =	sshll.u32 s1, $0x7  }
0x6: {  	s3 =	sadd.s32 $0x1800, s4;
	s4 =	sadd.s32 $0x188800, s4;
	s6 =	ssub.s32 $0x18700, s2  }
.Ltmp0:
0x7: {  	s1 =	rddreg [dreg:$0x1];
	s5 =	sand.u32 $0xF80, s6;
	(pc) =	sbr.rel .LBB1_1-.Ltmp0, $4  }
0x8: {  	_ =	strace $0x80000047;
	s9 =	smov.u32 s2;
	p0 =	sne.s32 s5, $0x0  }
0x9: {  	s6 =	sshrl.u32 s6, $0xC;
	s5 =	simm.s32 $0x1;
	s7 =	simm.s32 @!p0 $0x0  }
0xa: {  	[sflag:s5] =	ssyncpa.u1 $0x0;
	p0 =	por $0x0, $0x0;
	s6 =	sadd.s32 s7, s6  }
0xb: {  	[sflag:s8] =	ssyncpa.u1 $0x0;
	s8 =	simm.s32 $0xC3800;
	s7 =	sadd.s32 $0x1, s6  }
.LBB1_4:
0xc: {  	v5 =	vld [tilespmem:s15+$0xFFFFFFD0];
	[tilespmem:s14+$0x2040 ss:$0x81] =	vst.msk $0xffff, v3;
	s17 =	sshll.u32 s11, $0x3  }
0xd: {  	v58 =	vld [tilespmem:s15+$0xFFFFFFE0];
	[tilespmem:s14+$0x2850 ss:$0x81] =	vst.msk $0xffff, v4;
	s25 =	sand.u32 $0x7F, s11;
	s17 =	sand.u32 $0xFFFFFC00, s17  }
0xe: {  	s16 =	sshra.s32 s16, $0x2;
	v59 =	vld [tilespmem:s15+$0xFFFFFFF0];
	[tilespmem:s14+$0x3060 ss:$0x81] =	vst.msk $0xffff, v2;
	s11 =	sor.u32 s25, s17  }
0xf: {  	v60 =	vld [tilespmem:s15+$0x0];
	[tilespmem:s14+$0x0 ss:$0x81] =	vst.msk $0xffff, v0;
	s13 =	sadd.s32 s16, s13;
	s26 =	smulhi.u32 $0xA79C7B17, s11  }
0x10: {  	v61 =	vld [tilespmem:s15+$0x10];
	[tilespmem:s13+$0x3870 ss:$0x81] =	vst.msk $0xffff, v1  }
0x11: {  	v62 =	vld [tilespmem:s15+$0x20];
	s27 =	smulhi.u32 $0xA79C7B17, s17;
	[tilespmem:s13+$0x810 ss:$0x81] =	vst.msk $0xffff, v5;
	s14 =	sshrl.u32 s26, $0x10  }
0x12: {  	v63 =	vld [tilespmem:s15+$0xFFFFFFC0];
	[tilespmem:s13+$0x1020 ss:$0x81] =	vst.msk $0xffff, v58;
	s14 =	smul.u32 $0x18700, s14  }
0x13: {  	s28 =	sshrl.u32 s27, $0x10;
	[tilespmem:s13+$0x1830 ss:$0x81] =	vst.msk $0xffff, v59  }
0x14: {  	[tilespmem:s13+$0x2040 ss:$0x81] =	vst.msk $0xffff, v60;
	s29 =	sand.u32 $0x7F, s28;
	s11 =	ssub.s32 s11, s14  }
0x15: {  	[tilespmem:s13+$0x2850 ss:$0x81] =	vst.msk $0xffff, v61;
	s14 =	smul.u32 $0x30E0, s29;
	s30 =	sshrl.u32 s11, $0x3;
	s11 =	sand.u32 $0x7, s11  }
0x16: {  	[tilespmem:s13+$0x3060 ss:$0x81] =	vst.msk $0xffff, v62;
	s15 =	sadd.s32 s4, s30;
	s11 =	sshll.u32 s11, $0x12  }
0x17: {  	[tilespmem:s13+$0x0 ss:$0x81] =	vst.msk $0xffff, v63;
	s31 =	sadd.s32 s14, s15;
	s11 =	sor.u32 $0x400, s11  }
0x18: {  	[hbm4b:s31+s11] =	stream.strided.scatter [tilespmem:s12], [sflag:$0x2], $0x4000, s8, s11, $0x20;
	[tilespmem:$0x10100] =	vst v63  }
.LBB1_5:
0x19: {  	s13 =	sadd.s32 $0x1000, s9  }
0x1a: {  	p2 =	sgt.s32 s13, $0x186FF  }
0x1b: {  	s13 =	smov.u32 @p2 s2;
	p2 =	sne.s32 s10, s7  }
.Ltmp1:
0x1c: {  	p1 =	slt.u32 s10, $0x2;
	(pc) =	sbr.rel @!p2 .LBB1_6-.Ltmp1, $4  }
0x1d: {  	s12 =	simm.s32 @!p1 $0x2  }
0x1e: {  	s14 =	sadd.s32 $0x1, s10;
	_ =	swait.ge @!p1 [sflag:s12], $0x4000  }
0x1f: {  	s11 =	smov.u32 s9;
	p0 =	por !p0, !p0;
	[sflag:s12] =	ssyncset.done @!p1 $0x0  }
0x20: {  	s10 =	smov.u32 s14;
	s9 =	smov.u32 s13;
	[sflag:s12] =	ssyncadd.s32 @!p1 $0xFFFFC000  }
.LBB1_1:
0x21: {  	p1 =	sge.u32 s10, s6  }
0x22: {  	s12 =	sand.u32 @!p1 $0x1FFFFFF, s9  }
0x23: {  	s13 =	smulhi.u32 @!p1 $0x29E71ED, s12;
	_ =	sdelay $0x1  }
0x24: {  	s13 =	sshrl.u32 @!p1 s13, $0xA  }
0x25: {  	s13 =	smul.u32 @!p1 $0x18700, s13;
	_ =	sdelay $0x1  }
0x26: {  	s14 =	sxor.u32 @!p1 $0xFFFFFFFF, s10;
	s12 =	ssub.s32 @!p1 s12, s13  }
0x27: {  	s31 =	sadd.s32 $0xFFFFFFFF, s10;
	s13 =	sshll.u32 @!p1 s14, $0xE;
	s12 =	sshll.u32 @!p1 s12, $0x4  }
0x28: {  	s14 =	simm.s32 @!p1 $0x0;
	s13 =	sand.u32 @!p1 $0x4000, s13;
	s12 =	sadd.s32 @!p1 s3, s12  }
0x29: {  	[tilespmem:s13], [sflag:$0x1] =	stream.linear.gather @!p1 [hbm4b:s12+s14], $0x4000, $0x38;
	[tilespmem:$0x10100] =	vst v63  }
0x2a: {  	p1 =	sge.u32 s31, s6  }
.Ltmp2:
0x2b: {  	_ = 	snop;
	(pc) =	sbr.rel @p1 .LBB1_5-.Ltmp2, $1  }
0x2c: {  	_ =	sdelay $0x3  }
0x2d: {  	s12 =	simm.s32 $0x1  }
0x2e: {  	_ =	swait.ge [sflag:s5], $0x4000;
	s12 =	simm.s32 @!p0 $0x0  }
0x2f: {  	[sflag:s5] =	ssyncset.done $0x0;
	s13 =	sshll.u32 s12, $0xE  }
0x30: {  	[sflag:s5] =	ssyncadd.s32 $0xFFFFC000;
	s15 =	sor.u32 $0x40, s13  }
0x31: {  	s12 =	smul.u32 $0x10200, s12;
	v0 =	vld [tilespmem:s15+$0x30]  }
0x32: {  	v1 =	vld [tilespmem:s15+$0xFFFFFFD0]  }
0x33: {  	s12 =	sshrl.u32 s12, $0x2;
	v5 =	vld [tilespmem:s15+$0xFFFFFFE0]  }
0x34: {  	v6 =	vld [tilespmem:s15+$0xFFFFFFF0];
	s13 =	sor.u32 $0x8000, s12  }
0x35: {  	s31 =	sand.u32 $0x1, s10;
	v3 =	vld [tilespmem:s15+$0x0];
	s14 =	sadd.s32 $0x0, s13  }
0x36: {  	v4 =	vld [tilespmem:s15+$0x10];
	s12 =	smul.u32 $0x10200, s31;
	[tilespmem:s14+$0x3870 ss:$0x81] =	vst.msk $0xffff, v0  }
0x37: {  	v2 =	vld [tilespmem:s15+$0x20];
	[tilespmem:s14+$0x810 ss:$0x81] =	vst.msk $0xffff, v1  }
0x38: {  	s12 =	sshrl.u32 s12, $0x2;
	v0 =	vld [tilespmem:s15+$0xFFFFFFC0];
	[tilespmem:s14+$0x1020 ss:$0x81] =	vst.msk $0xffff, v5;
	s15 =	sadd.s32 $0x80, s15  }
0x39: {  	s16 =	simm.s32 $0x4;
	s17 =	simm.s32 $0x8;
	s12 =	sor.u32 $0x8000, s12;
	[tilespmem:s14+$0x1830 ss:$0x81] =	vst.msk $0xffff, v6;
	v1 =	vld [tilespmem:s15+$0x30]  }
.LBB1_3:
0x3a: {  	p1 =	sne.s32 s17, $0x1FC;
	v5 =	vld [tilespmem:s15+$0xFFFFFFD0];
	[tilespmem:s14+$0x2040 ss:$0x81] =	vst.msk $0xffff, v3  }
0x3b: {  	v6 =	vld [tilespmem:s15+$0xFFFFFFE0];
	[tilespmem:s14+$0x2850 ss:$0x81] =	vst.msk $0xffff, v4  }
0x3c: {  	s18 =	sshra.s32 s16, $0x2;
	s16 =	smov.u32 s17;
	v7 =	vld [tilespmem:s15+$0xFFFFFFF0];
	[tilespmem:s14+$0x3060 ss:$0x81] =	vst.msk $0xffff, v2  }
.Ltmp3:
0x3d: {  	v3 =	vld [tilespmem:s15+$0x0];
	[tilespmem:s14+$0x0 ss:$0x81] =	vst.msk $0xffff, v0;
	s14 =	sadd.s32 s18, s13;
	(pc) =	sbr.rel @p1 .LBB1_3-.Ltmp3, $4  }
0x3e: {  	v4 =	vld [tilespmem:s15+$0x10];
	[tilespmem:s14+$0x3870 ss:$0x81] =	vst.msk $0xffff, v1  }
0x3f: {  	[tilespmem:s14+$0x810 ss:$0x81] =	vst.msk $0xffff, v5;
	v2 =	vld [tilespmem:s15+$0x20]  }
0x40: {  	v0 =	vld [tilespmem:s15+$0xFFFFFFC0];
	[tilespmem:s14+$0x1020 ss:$0x81] =	vst.msk $0xffff, v6;
	s15 =	sadd.s32 $0x80, s15  }
0x41: {  	s17 =	sadd.s32 $0x4, s17;
	v1 =	vld [tilespmem:s15+$0x30];
	[tilespmem:s14+$0x1830 ss:$0x81] =	vst.msk $0xffff, v7  }
.Ltmp4:
0x42: {  	_ = 	snop;
	(pc) =	sbr.rel .LBB1_4-.Ltmp4, $1  }
0x43: {  	_ =	sdelay $0x3  }
.LBB1_6:
0x44: {  	_ =	sfence.sel $0x180000  }
0x45: {  	s2 =	simm.s32 $0x1;
	[bflag:$0x0] =	sbarrier.arrive $0xFFFF  }
0x46: {  	s31 =	simm.s32 $0x2;
	[sflag:s2] =	ssyncpa.u1 $0x1  }
0x47: {  	[sflag:s31] =	ssyncpa.u1 $0x1  }
0x48: {  	p0 =	sne.s32 s0, $0x0;
	_ =	strace $0x90000047  }
0x49: {  	s0 =	sadd.s32 @!p0 $0x100000, s1;
	[bflag:$0x2] =	sbarrier.arrive $0xFFFF  }
0x4a: {  	[sflag:s0] =	ssyncadd.tile.s32 @!p0 $0x1;
	_ =	shalt  }
.Lfunc_end1:
_tile_overlayer_lowered:
.L_overlay_start_2:
0x4b: {  	(tag) =	ssettag $0x2  }
0x4c: {  	s0 =	rddreg [dreg:$0x0];
	s2 =	stileid.u32  }
0x4d: {  	s1 =	rddreg [dreg:$0x1];
	p0 =	sne.s32 s2, $0x0  }
0x4e: {  	s3 =	rddreg [dreg:$0x2];
	[bflag:$0x3] =	sbarrier.arrive $0xFFFF;
	s2 =	simm.s32 @!p0 $0x1C01  }
0x4f: {  	[timem:s3], [sflag:s2] =	dma.local @!p0 [hbm:s0], s1  }
0x50: {  	s0 =	simm.s32 @!p0 $0x1  }
0x51: {  	_ =	swait.ge @!p0 [sflag:s0], s1  }
0x52: {  	s1 =	ssub.s32 @!p0 $0x0, s1;
	[sflag:s0] =	ssyncset.done @!p0 $0x0  }
0x53: {  	[sflag:s0] =	ssyncadd.s32 @!p0 s1  }
0x54: {  	[bflag:$0x3] =	sbarrier.arrive $0xFFFF  }
0x55: {  	_ =	shalt  }

</sc_bundles>
